<compile_context>
chip_gen: v7x
topology: tpu7x:2x2x1
jax: 0.10.2.dev20260603
libtpu: 0.0.44.dev20260713+nightly
codegen_flags: <defaults>
</compile_context>

<pallas_src>
import functools

import jax
import jax.numpy as jnp
from jax import lax
from jax.experimental import pallas as pl
from jax.experimental.pallas import tpu as pltpu
from jax.experimental.pallas import tpu_sc as plsc

N = 10000
E = 320000
D = 128
DE = 16

NC = 2
NS = 16
NW = NC * NS
C = 80
EPW = E // NW
NCH = EPW // C
RPS = 624
RTAIL = N - NS * RPS

_mesh = plsc.VectorSubcoreMesh(core_axis_name="c", subcore_axis_name="s")


def _sc_message(h, src, dst, el, zz):

    @functools.partial(
        pl.kernel,
        mesh=_mesh,
        out_type=jax.ShapeDtypeStruct((NC, N, D), jnp.float32),
        scratch_types=[
            pltpu.VMEM_SHARED((N, D), jnp.float32),
            pltpu.VMEM((C,), jnp.int32),
            pltpu.VMEM((C,), jnp.int32),
            pltpu.VMEM((C, D), jnp.float32),
            pltpu.VMEM((C, D), jnp.float32),
            pltpu.SemaphoreType.DMA,
        ],
    )
    def k(h_hbm, src_hbm, dst_hbm, el_hbm, zz_hbm, out_hbm,
          acc, sidx, didx, elv, rows, sem):
        cid = lax.axis_index("c")
        sid = lax.axis_index("s")
        wid = sid * NC + cid
        pltpu.sync_copy(zz_hbm.at[pl.ds(sid * RPS, RPS)],
                        acc.at[pl.ds(sid * RPS, RPS)])

        @pl.when(sid == NS - 1)
        def _():
            pltpu.sync_copy(zz_hbm.at[pl.ds(NS * RPS, RTAIL)],
                            acc.at[pl.ds(NS * RPS, RTAIL)])

        plsc.subcore_barrier()
        base = wid * EPW

        def body(i, carry):
            off = base + i * C
            pltpu.sync_copy(src_hbm.at[pl.ds(off, C)], sidx)
            pltpu.sync_copy(dst_hbm.at[pl.ds(off, C)], didx)
            pltpu.sync_copy(el_hbm.at[pl.ds(off, C)], elv)
            pltpu.async_copy(h_hbm.at[sidx], rows, sem).wait()

            def rb(r, c2):
                for c8 in range(D // 16):
                    sl = pl.ds(c8 * 16, 16)
                    rows[r, sl] = jnp.maximum(rows[r, sl] + elv[r, sl], 0.0)
                return c2

            lax.fori_loop(0, C, rb, 0)
            pltpu.sync_copy(rows, acc.at[didx], add=True)
            return carry

        lax.fori_loop(0, NCH, body, 0)
        plsc.subcore_barrier()
        pltpu.sync_copy(acc.at[pl.ds(sid * RPS, RPS)],
                        out_hbm.at[cid, pl.ds(sid * RPS, RPS)])

        @pl.when(sid == NS - 1)
        def _():
            pltpu.sync_copy(acc.at[pl.ds(NS * RPS, RTAIL)],
                            out_hbm.at[cid, pl.ds(NS * RPS, RTAIL)])

    return k(h, src, dst, el, zz)


BE = 4000


def _edge_lin(ea, W, b):
    def k(ea_ref, w_ref, b_ref, o_ref):
        o_ref[...] = (
            jnp.dot(ea_ref[...], w_ref[...], preferred_element_type=jnp.float32)
            + b_ref[...]
        )

    return pl.pallas_call(
        k,
        grid=(E // BE,),
        in_specs=[
            pl.BlockSpec((BE, DE), lambda i: (i, 0)),
            pl.BlockSpec((DE, D), lambda i: (0, 0)),
            pl.BlockSpec((D,), lambda i: (0,)),
        ],
        out_specs=pl.BlockSpec((BE, D), lambda i: (i, 0)),
        out_shape=jax.ShapeDtypeStruct((E, D), jnp.float32),
    )(ea, W, b)


BN = 2000


def _combine(h, u0, u1, Wa, ba, Wb, bb):
    def k(h_ref, u0_ref, u1_ref, wa_ref, ba_ref, wb_ref, bb_ref, o_ref):
        z = h_ref[...] + u0_ref[...] + u1_ref[...]
        z = jnp.maximum(
            jnp.dot(z, wa_ref[...], preferred_element_type=jnp.float32)
            + ba_ref[...], 0.0)
        z = (jnp.dot(z, wb_ref[...], preferred_element_type=jnp.float32)
             + bb_ref[...])
        o_ref[...] = jnp.maximum(z, 0.0)

    blk = pl.BlockSpec((BN, D), lambda i: (i, 0))
    wblk = pl.BlockSpec((D, D), lambda i: (0, 0))
    bblk = pl.BlockSpec((D,), lambda i: (0,))
    return pl.pallas_call(
        k,
        grid=(N // BN,),
        in_specs=[blk, blk, blk, wblk, bblk, wblk, bblk],
        out_specs=blk,
        out_shape=jax.ShapeDtypeStruct((N, D), jnp.float32),
    )(h, u0, u1, Wa, ba, Wb, bb)


def kernel(x, edge_index, edge_attr,
           We1, be1, W1a, b1a, W1b, b1b,
           We2, be2, W2a, b2a, W2b, b2b):
    src = edge_index[0]
    dst = edge_index[1]
    zz = jnp.zeros((N, D), jnp.float32)
    el1 = _edge_lin(edge_attr, We1, be1)
    el2 = _edge_lin(edge_attr, We2, be2)
    u1 = _sc_message(x, src, dst, el1, zz)
    h1 = _combine(x, u1[0], u1[1], W1a, b1a, W1b, b1b)
    u2 = _sc_message(h1, src, dst, el2, zz)
    h2 = _combine(h1, u2[0], u2[1], W2a, b2a, W2b, b2b)
    return h2

# --- scband reference (transcript-rebuilt; emitter-appended) ---
"""Pipeline reference for scband-gine-37443524886787 (READ-ONLY COPY).

The authoritative reference and input builder live on the scoring server;
editing this copy changes nothing except your own understanding.
"""

import jax, jax.numpy as jnp
import numpy as np

N = 10000
E = 320000
D = 128
DE = 16
EPS = 0.0

def setup_inputs(seed: int = 0) -> dict:
    key = jax.random.key(seed)
    ks = jax.random.split(key, 16)
    s = 0.05
    return {
        "x": jax.random.normal(ks[0], (N, D), dtype=jnp.float32),
        "edge_index": jax.random.randint(ks[1], (2, E), 0, N, dtype=jnp.int32),
        "edge_attr": jax.random.normal(ks[2], (E, DE), dtype=jnp.float32),
        "We1": jax.random.normal(ks[3], (DE, D), dtype=jnp.float32) * s,
        "be1": jnp.zeros((D,), dtype=jnp.float32),
        "W1a": jax.random.normal(ks[4], (D, D), dtype=jnp.float32) * s,
        "b1a": jnp.zeros((D,), dtype=jnp.float32),
        "W1b": jax.random.normal(ks[5], (D, D), dtype=jnp.float32) * s,
        "b1b": jnp.zeros((D,), dtype=jnp.float32),
        "We2": jax.random.normal(ks[6], (DE, D), dtype=jnp.float32) * s,
        "be2": jnp.zeros((D,), dtype=jnp.float32),
        "W2a": jax.random.normal(ks[7], (D, D), dtype=jnp.float32) * s,
        "b2a": jnp.zeros((D,), dtype=jnp.float32),
        "W2b": jax.random.normal(ks[8], (D, D), dtype=jnp.float32) * s,
        "b2b": jnp.zeros((D,), dtype=jnp.float32),
    }

def _gine_layer(h, edge_index, edge_attr, We, be, Wa, ba, Wb, bb):
    src = edge_index[0]
    dst = edge_index[1]
    # message: input[node_in] + edge_linear(edge_feature), then relu
    msg = jax.nn.relu(h[src] + edge_attr @ We + be)
    # aggregate: scatter_add over destination nodes (edge_weight == 1)
    upd = jax.ops.segment_sum(msg, dst, num_segments=N)
    # combine: mlp((1 + eps) * input + update), then activation
    z = (1.0 + EPS) * h + upd
    z = jax.nn.relu(z @ Wa + ba)  # MLP hidden layer (num_mlp_layer=2)
    z = z @ Wb + bb               # MLP output layer
    return jax.nn.relu(z)         # layer activation

def reference(x, edge_index, edge_attr, We1, be1, W1a, b1a, W1b, b1b, We2, be2, W2a, b2a, W2b, b2b):
    h = _gine_layer(x, edge_index, edge_attr, We1, be1, W1a, b1a, W1b, b1b)
    h = _gine_layer(h, edge_index, edge_attr, We2, be2, W2a, b2a, W2b, b2b)
    return h

if False:  # reference __main__ guard neutralized (emitter)
    out = reference(**setup_inputs())
    print(out.shape)

if __name__ == "__main__":
    import jax
    _d = setup_inputs()
    print(jax.jit(kernel)(*tuple(_d.values())))

</pallas_src>

<mosaic_0001>
#map = affine_map<(d0, d1) -> (0, 0)>
#map1 = affine_map<(d0, d1) -> (0)>
#map2 = affine_map<(d0, d1) -> (0, 0, 0)>
module attributes {stable_mosaic.version = 14 : i64} {
  func.func @k(%arg0: i32, %arg1: i32, %arg2: memref<10000x128xf32, #tpu.memory_space<hbm>>, %arg3: memref<320000xi32, #tpu.memory_space<hbm>>, %arg4: memref<320000xi32, #tpu.memory_space<hbm>>, %arg5: memref<320000x128xf32, #tpu.memory_space<hbm>>, %arg6: memref<10000x128xf32, #tpu.memory_space<hbm>>, %arg7: memref<2x10000x128xf32, #tpu.memory_space<hbm>>, %arg8: memref<10000x128xf32, #tpu.memory_space<vmem_shared>>, %arg9: memref<80xi32, #tpu.memory_space<vmem>>, %arg10: memref<80xi32, #tpu.memory_space<vmem>>, %arg11: memref<80x128xf32, #tpu.memory_space<vmem>>, %arg12: memref<80x128xf32, #tpu.memory_space<vmem>>, %arg13: memref<!tpu.dma_semaphore, #tpu.memory_space<semaphore_mem>>) attributes {dimension_semantics = [#tpu.dimension_semantics<core_parallel>, #tpu.dimension_semantics<subcore_parallel>], iteration_bounds = array<i64: 2, 16>, scalar_prefetch = 0 : i64, scratch_operands = 6 : i64, tpu.core_type = #tpu.core_type<sc_vector_subcore>, window_params = [{transform_indices = #map}, {transform_indices = #map1}, {transform_indices = #map1}, {transform_indices = #map}, {transform_indices = #map}, {transform_indices = #map2}]} {
    %mul3A = arith.constant 2 : i32
    %mul3A_0 = arith.muli %arg1, %mul3A : i32
    %add3A = arith.addi %mul3A_0, %arg0 : i32
    %mul3A_1 = arith.constant 624 : i32
    %mul3A_2 = arith.muli %arg1, %mul3A_1 : i32
    %mul3A_3 = arith.constant 624 : i32
    %mul3A_4 = arith.muli %arg1, %mul3A_3 : i32
    "tpu.region"() ({
      %run_scoped3A = tpu.sem_alloc : memref<!tpu.dma_semaphore, #tpu.memory_space<semaphore_mem>>
      %dma_start3A = arith.constant 0 : i32
      %dma_start3A_24 = tpu.memref_slice %arg8[%mul3A_4, %dma_start3A] : memref<10000x128xf32, #tpu.memory_space<vmem_shared>> -> memref<624x128xf32, #tpu.memory_space<vmem_shared>>
      %dma_start3A_25 = arith.constant 0 : i32
      %dma_start3A_26 = tpu.memref_slice %arg6[%mul3A_2, %dma_start3A_25] : memref<10000x128xf32, #tpu.memory_space<hbm>> -> memref<624x128xf32, #tpu.memory_space<hbm>>
      tpu.enqueue_dma source(%dma_start3A_26 : memref<624x128xf32, #tpu.memory_space<hbm>>) target(%dma_start3A_24 : memref<624x128xf32, #tpu.memory_space<vmem_shared>>) target_semaphore(%run_scoped3A : memref<!tpu.dma_semaphore, #tpu.memory_space<semaphore_mem>>)
      %dma_wait3A = arith.constant 0 : i32
      %dma_wait3A_27 = tpu.memref_slice %arg8[%mul3A_4, %dma_wait3A] : memref<10000x128xf32, #tpu.memory_space<vmem_shared>> -> memref<624x128xf32, #tpu.memory_space<vmem_shared>>
      %dma_wait3A_28 = arith.constant 0 : i32
      %dma_wait3A_29 = tpu.memref_slice %arg6[%mul3A_2, %dma_wait3A_28] : memref<10000x128xf32, #tpu.memory_space<hbm>> -> memref<624x128xf32, #tpu.memory_space<hbm>>
      tpu.wait_dma2 semaphore(%run_scoped3A : memref<!tpu.dma_semaphore, #tpu.memory_space<semaphore_mem>>) src(%dma_wait3A_29 : memref<624x128xf32, #tpu.memory_space<hbm>>) dst(%dma_wait3A_27 : memref<624x128xf32, #tpu.memory_space<vmem_shared>>)
      tpu.yield
    }) : () -> ()
    %eq3A = arith.constant 15 : i32
    %eq3A_5 = arith.cmpi eq, %arg1, %eq3A : i32
    %convert_element_type3A = arith.extui %eq3A_5 : i1 to i32
    %cond3A = arith.constant 0 : i32
    %cond3A_6 = arith.cmpi ne, %convert_element_type3A, %cond3A : i32
    scf.if %cond3A_6 {
      "tpu.region"() ({
        %run_scoped3A = tpu.sem_alloc : memref<!tpu.dma_semaphore, #tpu.memory_space<semaphore_mem>>
        %dma_start3A = arith.constant 9984 : i32
        %dma_start3A_24 = arith.constant 0 : i32
        %dma_start3A_25 = tpu.memref_slice %arg8[%dma_start3A, %dma_start3A_24] : memref<10000x128xf32, #tpu.memory_space<vmem_shared>> -> memref<16x128xf32, #tpu.memory_space<vmem_shared>>
        %dma_start3A_26 = arith.constant 9984 : i32
        %dma_start3A_27 = arith.constant 0 : i32
        %dma_start3A_28 = tpu.memref_slice %arg6[%dma_start3A_26, %dma_start3A_27] : memref<10000x128xf32, #tpu.memory_space<hbm>> -> memref<16x128xf32, #tpu.memory_space<hbm>>
        tpu.enqueue_dma source(%dma_start3A_28 : memref<16x128xf32, #tpu.memory_space<hbm>>) target(%dma_start3A_25 : memref<16x128xf32, #tpu.memory_space<vmem_shared>>) target_semaphore(%run_scoped3A : memref<!tpu.dma_semaphore, #tpu.memory_space<semaphore_mem>>)
        %dma_wait3A = arith.constant 9984 : i32
        %dma_wait3A_29 = arith.constant 0 : i32
        %dma_wait3A_30 = tpu.memref_slice %arg8[%dma_wait3A, %dma_wait3A_29] : memref<10000x128xf32, #tpu.memory_space<vmem_shared>> -> memref<16x128xf32, #tpu.memory_space<vmem_shared>>
        %dma_wait3A_31 = arith.constant 9984 : i32
        %dma_wait3A_32 = arith.constant 0 : i32
        %dma_wait3A_33 = tpu.memref_slice %arg6[%dma_wait3A_31, %dma_wait3A_32] : memref<10000x128xf32, #tpu.memory_space<hbm>> -> memref<16x128xf32, #tpu.memory_space<hbm>>
        tpu.wait_dma2 semaphore(%run_scoped3A : memref<!tpu.dma_semaphore, #tpu.memory_space<semaphore_mem>>) src(%dma_wait3A_33 : memref<16x128xf32, #tpu.memory_space<hbm>>) dst(%dma_wait3A_30 : memref<16x128xf32, #tpu.memory_space<vmem_shared>>)
        tpu.yield
      }) : () -> ()
    } else {
    }
    %barrier3A = arith.constant 0 : index
    tpu.barrier barrier_id(%barrier3A)
    %mul3A_7 = arith.constant 10000 : i32
    %mul3A_8 = arith.muli %add3A, %mul3A_7 : i32
    %scan3A = arith.constant 0 : i32
    %scan3A_9 = arith.constant 0 : i32
    %scan3A_10 = arith.constant 125 : i32
    %scan3A_11 = arith.addi %scan3A_9, %scan3A_10 : i32
    %scan3A_12 = arith.constant 1 : i32
    scf.for %scan3A_24 = %scan3A_9 to %scan3A_11 step %scan3A_12  : i32 {
      %mul3A_25 = arith.constant 80 : i32
      %mul3A_26 = arith.muli %scan3A_24, %mul3A_25 : i32
      %add3A_27 = arith.addi %mul3A_8, %mul3A_26 : i32
      "tpu.region"() ({
        %run_scoped3A = tpu.sem_alloc : memref<!tpu.dma_semaphore, #tpu.memory_space<semaphore_mem>>
        %dma_start3A_38 = tpu.memref_slice %arg3[%add3A_27] : memref<320000xi32, #tpu.memory_space<hbm>> -> memref<80xi32, #tpu.memory_space<hbm>>
        %dma_start3A_39 = tpu.memref_slice %arg3[%add3A_27] : memref<320000xi32, #tpu.memory_space<hbm>> -> memref<80xi32, #tpu.memory_space<hbm>>
        tpu.enqueue_dma source(%dma_start3A_39 : memref<80xi32, #tpu.memory_space<hbm>>) target(%arg9 : memref<80xi32, #tpu.memory_space<vmem>>) target_semaphore(%run_scoped3A : memref<!tpu.dma_semaphore, #tpu.memory_space<semaphore_mem>>)
        %dma_wait3A_40 = tpu.memref_slice %arg3[%add3A_27] : memref<320000xi32, #tpu.memory_space<hbm>> -> memref<80xi32, #tpu.memory_space<hbm>>
        %dma_wait3A_41 = tpu.memref_slice %arg3[%add3A_27] : memref<320000xi32, #tpu.memory_space<hbm>> -> memref<80xi32, #tpu.memory_space<hbm>>
        tpu.wait_dma2 semaphore(%run_scoped3A : memref<!tpu.dma_semaphore, #tpu.memory_space<semaphore_mem>>) src(%dma_wait3A_41 : memref<80xi32, #tpu.memory_space<hbm>>) dst(%arg9 : memref<80xi32, #tpu.memory_space<vmem>>)
        tpu.yield
      }) : () -> ()
      "tpu.region"() ({
        %run_scoped3A = tpu.sem_alloc : memref<!tpu.dma_semaphore, #tpu.memory_space<semaphore_mem>>
        %dma_start3A_38 = tpu.memref_slice %arg4[%add3A_27] : memref<320000xi32, #tpu.memory_space<hbm>> -> memref<80xi32, #tpu.memory_space<hbm>>
        %dma_start3A_39 = tpu.memref_slice %arg4[%add3A_27] : memref<320000xi32, #tpu.memory_space<hbm>> -> memref<80xi32, #tpu.memory_space<hbm>>
        tpu.enqueue_dma source(%dma_start3A_39 : memref<80xi32, #tpu.memory_space<hbm>>) target(%arg10 : memref<80xi32, #tpu.memory_space<vmem>>) target_semaphore(%run_scoped3A : memref<!tpu.dma_semaphore, #tpu.memory_space<semaphore_mem>>)
        %dma_wait3A_40 = tpu.memref_slice %arg4[%add3A_27] : memref<320000xi32, #tpu.memory_space<hbm>> -> memref<80xi32, #tpu.memory_space<hbm>>
        %dma_wait3A_41 = tpu.memref_slice %arg4[%add3A_27] : memref<320000xi32, #tpu.memory_space<hbm>> -> memref<80xi32, #tpu.memory_space<hbm>>
        tpu.wait_dma2 semaphore(%run_scoped3A : memref<!tpu.dma_semaphore, #tpu.memory_space<semaphore_mem>>) src(%dma_wait3A_41 : memref<80xi32, #tpu.memory_space<hbm>>) dst(%arg10 : memref<80xi32, #tpu.memory_space<vmem>>)
        tpu.yield
      }) : () -> ()
      "tpu.region"() ({
        %run_scoped3A = tpu.sem_alloc : memref<!tpu.dma_semaphore, #tpu.memory_space<semaphore_mem>>
        %dma_start3A_38 = arith.constant 0 : i32
        %dma_start3A_39 = tpu.memref_slice %arg5[%add3A_27, %dma_start3A_38] : memref<320000x128xf32, #tpu.memory_space<hbm>> -> memref<80x128xf32, #tpu.memory_space<hbm>>
        %dma_start3A_40 = arith.constant 0 : i32
        %dma_start3A_41 = tpu.memref_slice %arg5[%add3A_27, %dma_start3A_40] : memref<320000x128xf32, #tpu.memory_space<hbm>> -> memref<80x128xf32, #tpu.memory_space<hbm>>
        tpu.enqueue_dma source(%dma_start3A_41 : memref<80x128xf32, #tpu.memory_space<hbm>>) target(%arg11 : memref<80x128xf32, #tpu.memory_space<vmem>>) target_semaphore(%run_scoped3A : memref<!tpu.dma_semaphore, #tpu.memory_space<semaphore_mem>>)
        %dma_wait3A_42 = arith.constant 0 : i32
        %dma_wait3A_43 = tpu.memref_slice %arg5[%add3A_27, %dma_wait3A_42] : memref<320000x128xf32, #tpu.memory_space<hbm>> -> memref<80x128xf32, #tpu.memory_space<hbm>>
        %dma_wait3A_44 = arith.constant 0 : i32
        %dma_wait3A_45 = tpu.memref_slice %arg5[%add3A_27, %dma_wait3A_44] : memref<320000x128xf32, #tpu.memory_space<hbm>> -> memref<80x128xf32, #tpu.memory_space<hbm>>
        tpu.wait_dma2 semaphore(%run_scoped3A : memref<!tpu.dma_semaphore, #tpu.memory_space<semaphore_mem>>) src(%dma_wait3A_45 : memref<80x128xf32, #tpu.memory_space<hbm>>) dst(%arg11 : memref<80x128xf32, #tpu.memory_space<vmem>>)
        tpu.yield
      }) : () -> ()
      %dma_start3A = arith.constant 0 : i32
      %dma_start3A_28 = arith.constant 0 : i32
      %dma_start3A_29 = tpu.memref_slice %arg2[%dma_start3A, %dma_start3A_28] : memref<10000x128xf32, #tpu.memory_space<hbm>> -> memref<10000x128xf32, #tpu.memory_space<hbm>>
      tpu.enqueue_indirect_dma source(%dma_start3A_29 : memref<10000x128xf32, #tpu.memory_space<hbm>>) target(%arg12 : memref<80x128xf32, #tpu.memory_space<vmem>>) offsets(%arg9 : memref<80xi32, #tpu.memory_space<vmem>>) semaphore(%arg13 : memref<!tpu.dma_semaphore, #tpu.memory_space<semaphore_mem>>)
      %dma_wait3A = arith.constant 0 : i32
      %dma_wait3A_30 = arith.constant 0 : i32
      %dma_wait3A_31 = tpu.memref_slice %arg2[%dma_wait3A, %dma_wait3A_30] : memref<10000x128xf32, #tpu.memory_space<hbm>> -> memref<10000x128xf32, #tpu.memory_space<hbm>>
      tpu.wait_indirect_dma semaphore(%arg13 : memref<!tpu.dma_semaphore, #tpu.memory_space<semaphore_mem>>) src(%dma_wait3A_31 : memref<10000x128xf32, #tpu.memory_space<hbm>>) dst(%arg12 : memref<80x128xf32, #tpu.memory_space<vmem>>)
      %scan3A_32 = arith.constant 0 : i32
      %scan3A_33 = arith.constant 0 : i32
      %scan3A_34 = arith.constant 80 : i32
      %scan3A_35 = arith.addi %scan3A_33, %scan3A_34 : i32
      %scan3A_36 = arith.constant 1 : i32
      scf.for %scan3A_38 = %scan3A_33 to %scan3A_35 step %scan3A_36  : i32 {
        %get3A = arith.index_cast %scan3A_38 : i32 to index
        %get3A_39 = arith.constant 0 : index
        %get3A_40 = tpu.vector_load %arg12[%get3A, %get3A_39] {strides = array<i32>} : memref<80x128xf32, #tpu.memory_space<vmem>>, vector<1x16xf32>,
        %get3A_41 = vector.shape_cast %get3A_40 : vector<1x16xf32> to vector<16xf32>
        %get3A_42 = arith.index_cast %scan3A_38 : i32 to index
        %get3A_43 = arith.constant 0 : index
        %get3A_44 = tpu.vector_load %arg11[%get3A_42, %get3A_43] {strides = array<i32>} : memref<80x128xf32, #tpu.memory_space<vmem>>, vector<1x16xf32>,
        %get3A_45 = vector.shape_cast %get3A_44 : vector<1x16xf32> to vector<16xf32>
        %add3A_46 = arith.addf %get3A_41, %get3A_45 : vector<16xf32>
        %max3A = arith.constant 0.000000e+00 : f32
        %max3A_47 = vector.broadcast %max3A : f32 to vector<16xf32>
        %max3A_48 = arith.maximumf %add3A_46, %max3A_47 : vector<16xf32>
        %swap3A = arith.index_cast %scan3A_38 : i32 to index
        %swap3A_49 = arith.constant 0 : index
        %swap3A_50 = tpu.vector_load %arg12[%swap3A, %swap3A_49] {strides = array<i32>} : memref<80x128xf32, #tpu.memory_space<vmem>>, vector<1x16xf32>,
        %swap3A_51 = vector.shape_cast %swap3A_50 : vector<1x16xf32> to vector<16xf32>
        %swap3A_52 = vector.shape_cast %max3A_48 : vector<16xf32> to vector<1x16xf32>
        tpu.vector_store %arg12[%swap3A, %swap3A_49], %swap3A_52 {strides = array<i32>} : memref<80x128xf32, #tpu.memory_space<vmem>>, vector<1x16xf32>,
        %get3A_53 = arith.index_cast %scan3A_38 : i32 to index
        %get3A_54 = arith.constant 16 : index
        %get3A_55 = tpu.vector_load %arg12[%get3A_53, %get3A_54] {strides = array<i32>} : memref<80x128xf32, #tpu.memory_space<vmem>>, vector<1x16xf32>,
        %get3A_56 = vector.shape_cast %get3A_55 : vector<1x16xf32> to vector<16xf32>
        %get3A_57 = arith.index_cast %scan3A_38 : i32 to index
        %get3A_58 = arith.constant 16 : index
        %get3A_59 = tpu.vector_load %arg11[%get3A_57, %get3A_58] {strides = array<i32>} : memref<80x128xf32, #tpu.memory_space<vmem>>, vector<1x16xf32>,
        %get3A_60 = vector.shape_cast %get3A_59 : vector<1x16xf32> to vector<16xf32>
        %add3A_61 = arith.addf %get3A_56, %get3A_60 : vector<16xf32>
        %max3A_62 = arith.constant 0.000000e+00 : f32
        %max3A_63 = vector.broadcast %max3A_62 : f32 to vector<16xf32>
        %max3A_64 = arith.maximumf %add3A_61, %max3A_63 : vector<16xf32>
        %swap3A_65 = arith.index_cast %scan3A_38 : i32 to index
        %swap3A_66 = arith.constant 16 : index
        %swap3A_67 = tpu.vector_load %arg12[%swap3A_65, %swap3A_66] {strides = array<i32>} : memref<80x128xf32, #tpu.memory_space<vmem>>, vector<1x16xf32>,
        %swap3A_68 = vector.shape_cast %swap3A_67 : vector<1x16xf32> to vector<16xf32>
        %swap3A_69 = vector.shape_cast %max3A_64 : vector<16xf32> to vector<1x16xf32>
        tpu.vector_store %arg12[%swap3A_65, %swap3A_66], %swap3A_69 {strides = array<i32>} : memref<80x128xf32, #tpu.memory_space<vmem>>, vector<1x16xf32>,
        %get3A_70 = arith.index_cast %scan3A_38 : i32 to index
        %get3A_71 = arith.constant 32 : index
        %get3A_72 = tpu.vector_load %arg12[%get3A_70, %get3A_71] {strides = array<i32>} : memref<80x128xf32, #tpu.memory_space<vmem>>, vector<1x16xf32>,
        %get3A_73 = vector.shape_cast %get3A_72 : vector<1x16xf32> to vector<16xf32>
        %get3A_74 = arith.index_cast %scan3A_38 : i32 to index
        %get3A_75 = arith.constant 32 : index
        %get3A_76 = tpu.vector_load %arg11[%get3A_74, %get3A_75] {strides = array<i32>} : memref<80x128xf32, #tpu.memory_space<vmem>>, vector<1x16xf32>,
        %get3A_77 = vector.shape_cast %get3A_76 : vector<1x16xf32> to vector<16xf32>
        %add3A_78 = arith.addf %get3A_73, %get3A_77 : vector<16xf32>
        %max3A_79 = arith.constant 0.000000e+00 : f32
        %max3A_80 = vector.broadcast %max3A_79 : f32 to vector<16xf32>
        %max3A_81 = arith.maximumf %add3A_78, %max3A_80 : vector<16xf32>
        %swap3A_82 = arith.index_cast %scan3A_38 : i32 to index
        %swap3A_83 = arith.constant 32 : index
        %swap3A_84 = tpu.vector_load %arg12[%swap3A_82, %swap3A_83] {strides = array<i32>} : memref<80x128xf32, #tpu.memory_space<vmem>>, vector<1x16xf32>,
        %swap3A_85 = vector.shape_cast %swap3A_84 : vector<1x16xf32> to vector<16xf32>
        %swap3A_86 = vector.shape_cast %max3A_81 : vector<16xf32> to vector<1x16xf32>
        tpu.vector_store %arg12[%swap3A_82, %swap3A_83], %swap3A_86 {strides = array<i32>} : memref<80x128xf32, #tpu.memory_space<vmem>>, vector<1x16xf32>,
        %get3A_87 = arith.index_cast %scan3A_38 : i32 to index
        %get3A_88 = arith.constant 48 : index
        %get3A_89 = tpu.vector_load %arg12[%get3A_87, %get3A_88] {strides = array<i32>} : memref<80x128xf32, #tpu.memory_space<vmem>>, vector<1x16xf32>,
        %get3A_90 = vector.shape_cast %get3A_89 : vector<1x16xf32> to vector<16xf32>
        %get3A_91 = arith.index_cast %scan3A_38 : i32 to index
        %get3A_92 = arith.constant 48 : index
        %get3A_93 = tpu.vector_load %arg11[%get3A_91, %get3A_92] {strides = array<i32>} : memref<80x128xf32, #tpu.memory_space<vmem>>, vector<1x16xf32>,
        %get3A_94 = vector.shape_cast %get3A_93 : vector<1x16xf32> to vector<16xf32>
        %add3A_95 = arith.addf %get3A_90, %get3A_94 : vector<16xf32>
        %max3A_96 = arith.constant 0.000000e+00 : f32
        %max3A_97 = vector.broadcast %max3A_96 : f32 to vector<16xf32>
        %max3A_98 = arith.maximumf %add3A_95, %max3A_97 : vector<16xf32>
        %swap3A_99 = arith.index_cast %scan3A_38 : i32 to index
        %swap3A_100 = arith.constant 48 : index
        %swap3A_101 = tpu.vector_load %arg12[%swap3A_99, %swap3A_100] {strides = array<i32>} : memref<80x128xf32, #tpu.memory_space<vmem>>, vector<1x16xf32>,
        %swap3A_102 = vector.shape_cast %swap3A_101 : vector<1x16xf32> to vector<16xf32>
        %swap3A_103 = vector.shape_cast %max3A_98 : vector<16xf32> to vector<1x16xf32>
        tpu.vector_store %arg12[%swap3A_99, %swap3A_100], %swap3A_103 {strides = array<i32>} : memref<80x128xf32, #tpu.memory_space<vmem>>, vector<1x16xf32>,
        %get3A_104 = arith.index_cast %scan3A_38 : i32 to index
        %get3A_105 = arith.constant 64 : index
        %get3A_106 = tpu.vector_load %arg12[%get3A_104, %get3A_105] {strides = array<i32>} : memref<80x128xf32, #tpu.memory_space<vmem>>, vector<1x16xf32>,
        %get3A_107 = vector.shape_cast %get3A_106 : vector<1x16xf32> to vector<16xf32>
        %get3A_108 = arith.index_cast %scan3A_38 : i32 to index
        %get3A_109 = arith.constant 64 : index
        %get3A_110 = tpu.vector_load %arg11[%get3A_108, %get3A_109] {strides = array<i32>} : memref<80x128xf32, #tpu.memory_space<vmem>>, vector<1x16xf32>,
        %get3A_111 = vector.shape_cast %get3A_110 : vector<1x16xf32> to vector<16xf32>
        %add3A_112 = arith.addf %get3A_107, %get3A_111 : vector<16xf32>
        %max3A_113 = arith.constant 0.000000e+00 : f32
        %max3A_114 = vector.broadcast %max3A_113 : f32 to vector<16xf32>
        %max3A_115 = arith.maximumf %add3A_112, %max3A_114 : vector<16xf32>
        %swap3A_116 = arith.index_cast %scan3A_38 : i32 to index
        %swap3A_117 = arith.constant 64 : index
        %swap3A_118 = tpu.vector_load %arg12[%swap3A_116, %swap3A_117] {strides = array<i32>} : memref<80x128xf32, #tpu.memory_space<vmem>>, vector<1x16xf32>,
        %swap3A_119 = vector.shape_cast %swap3A_118 : vector<1x16xf32> to vector<16xf32>
        %swap3A_120 = vector.shape_cast %max3A_115 : vector<16xf32> to vector<1x16xf32>
        tpu.vector_store %arg12[%swap3A_116, %swap3A_117], %swap3A_120 {strides = array<i32>} : memref<80x128xf32, #tpu.memory_space<vmem>>, vector<1x16xf32>,
        %get3A_121 = arith.index_cast %scan3A_38 : i32 to index
        %get3A_122 = arith.constant 80 : index
        %get3A_123 = tpu.vector_load %arg12[%get3A_121, %get3A_122] {strides = array<i32>} : memref<80x128xf32, #tpu.memory_space<vmem>>, vector<1x16xf32>,
        %get3A_124 = vector.shape_cast %get3A_123 : vector<1x16xf32> to vector<16xf32>
        %get3A_125 = arith.index_cast %scan3A_38 : i32 to index
        %get3A_126 = arith.constant 80 : index
        %get3A_127 = tpu.vector_load %arg11[%get3A_125, %get3A_126] {strides = array<i32>} : memref<80x128xf32, #tpu.memory_space<vmem>>, vector<1x16xf32>,
        %get3A_128 = vector.shape_cast %get3A_127 : vector<1x16xf32> to vector<16xf32>
        %add3A_129 = arith.addf %get3A_124, %get3A_128 : vector<16xf32>
        %max3A_130 = arith.constant 0.000000e+00 : f32
        %max3A_131 = vector.broadcast %max3A_130 : f32 to vector<16xf32>
        %max3A_132 = arith.maximumf %add3A_129, %max3A_131 : vector<16xf32>
        %swap3A_133 = arith.index_cast %scan3A_38 : i32 to index
        %swap3A_134 = arith.constant 80 : index
        %swap3A_135 = tpu.vector_load %arg12[%swap3A_133, %swap3A_134] {strides = array<i32>} : memref<80x128xf32, #tpu.memory_space<vmem>>, vector<1x16xf32>,
        %swap3A_136 = vector.shape_cast %swap3A_135 : vector<1x16xf32> to vector<16xf32>
        %swap3A_137 = vector.shape_cast %max3A_132 : vector<16xf32> to vector<1x16xf32>
        tpu.vector_store %arg12[%swap3A_133, %swap3A_134], %swap3A_137 {strides = array<i32>} : memref<80x128xf32, #tpu.memory_space<vmem>>, vector<1x16xf32>,
        %get3A_138 = arith.index_cast %scan3A_38 : i32 to index
        %get3A_139 = arith.constant 96 : index
        %get3A_140 = tpu.vector_load %arg12[%get3A_138, %get3A_139] {strides = array<i32>} : memref<80x128xf32, #tpu.memory_space<vmem>>, vector<1x16xf32>,
        %get3A_141 = vector.shape_cast %get3A_140 : vector<1x16xf32> to vector<16xf32>
        %get3A_142 = arith.index_cast %scan3A_38 : i32 to index
        %get3A_143 = arith.constant 96 : index
        %get3A_144 = tpu.vector_load %arg11[%get3A_142, %get3A_143] {strides = array<i32>} : memref<80x128xf32, #tpu.memory_space<vmem>>, vector<1x16xf32>,
        %get3A_145 = vector.shape_cast %get3A_144 : vector<1x16xf32> to vector<16xf32>
        %add3A_146 = arith.addf %get3A_141, %get3A_145 : vector<16xf32>
        %max3A_147 = arith.constant 0.000000e+00 : f32
        %max3A_148 = vector.broadcast %max3A_147 : f32 to vector<16xf32>
        %max3A_149 = arith.maximumf %add3A_146, %max3A_148 : vector<16xf32>
        %swap3A_150 = arith.index_cast %scan3A_38 : i32 to index
        %swap3A_151 = arith.constant 96 : index
        %swap3A_152 = tpu.vector_load %arg12[%swap3A_150, %swap3A_151] {strides = array<i32>} : memref<80x128xf32, #tpu.memory_space<vmem>>, vector<1x16xf32>,
        %swap3A_153 = vector.shape_cast %swap3A_152 : vector<1x16xf32> to vector<16xf32>
        %swap3A_154 = vector.shape_cast %max3A_149 : vector<16xf32> to vector<1x16xf32>
        tpu.vector_store %arg12[%swap3A_150, %swap3A_151], %swap3A_154 {strides = array<i32>} : memref<80x128xf32, #tpu.memory_space<vmem>>, vector<1x16xf32>,
        %get3A_155 = arith.index_cast %scan3A_38 : i32 to index
        %get3A_156 = arith.constant 112 : index
        %get3A_157 = tpu.vector_load %arg12[%get3A_155, %get3A_156] {strides = array<i32>} : memref<80x128xf32, #tpu.memory_space<vmem>>, vector<1x16xf32>,
        %get3A_158 = vector.shape_cast %get3A_157 : vector<1x16xf32> to vector<16xf32>
        %get3A_159 = arith.index_cast %scan3A_38 : i32 to index
        %get3A_160 = arith.constant 112 : index
        %get3A_161 = tpu.vector_load %arg11[%get3A_159, %get3A_160] {strides = array<i32>} : memref<80x128xf32, #tpu.memory_space<vmem>>, vector<1x16xf32>,
        %get3A_162 = vector.shape_cast %get3A_161 : vector<1x16xf32> to vector<16xf32>
        %add3A_163 = arith.addf %get3A_158, %get3A_162 : vector<16xf32>
        %max3A_164 = arith.constant 0.000000e+00 : f32
        %max3A_165 = vector.broadcast %max3A_164 : f32 to vector<16xf32>
        %max3A_166 = arith.maximumf %add3A_163, %max3A_165 : vector<16xf32>
        %swap3A_167 = arith.index_cast %scan3A_38 : i32 to index
        %swap3A_168 = arith.constant 112 : index
        %swap3A_169 = tpu.vector_load %arg12[%swap3A_167, %swap3A_168] {strides = array<i32>} : memref<80x128xf32, #tpu.memory_space<vmem>>, vector<1x16xf32>,
        %swap3A_170 = vector.shape_cast %swap3A_169 : vector<1x16xf32> to vector<16xf32>
        %swap3A_171 = vector.shape_cast %max3A_166 : vector<16xf32> to vector<1x16xf32>
        tpu.vector_store %arg12[%swap3A_167, %swap3A_168], %swap3A_171 {strides = array<i32>} : memref<80x128xf32, #tpu.memory_space<vmem>>, vector<1x16xf32>,
      }
      %scan3A_37 = arith.constant 80 : i32
      "tpu.region"() ({
        %run_scoped3A = tpu.sem_alloc : memref<!tpu.dma_semaphore, #tpu.memory_space<semaphore_mem>>
        %dma_start3A_38 = arith.constant 0 : i32
        %dma_start3A_39 = arith.constant 0 : i32
        %dma_start3A_40 = tpu.memref_slice %arg8[%dma_start3A_38, %dma_start3A_39] : memref<10000x128xf32, #tpu.memory_space<vmem_shared>> -> memref<10000x128xf32, #tpu.memory_space<vmem_shared>>
        tpu.enqueue_indirect_dma source(%arg12 : memref<80x128xf32, #tpu.memory_space<vmem>>) target(%dma_start3A_40 : memref<10000x128xf32, #tpu.memory_space<vmem_shared>>) offsets(%arg10 : memref<80xi32, #tpu.memory_space<vmem>>) semaphore(%run_scoped3A : memref<!tpu.dma_semaphore, #tpu.memory_space<semaphore_mem>>) {add = true}
        %dma_wait3A_41 = arith.constant 0 : i32
        %dma_wait3A_42 = arith.constant 0 : i32
        %dma_wait3A_43 = tpu.memref_slice %arg8[%dma_wait3A_41, %dma_wait3A_42] : memref<10000x128xf32, #tpu.memory_space<vmem_shared>> -> memref<10000x128xf32, #tpu.memory_space<vmem_shared>>
        tpu.wait_indirect_dma semaphore(%run_scoped3A : memref<!tpu.dma_semaphore, #tpu.memory_space<semaphore_mem>>) src(%arg12 : memref<80x128xf32, #tpu.memory_space<vmem>>) dst(%dma_wait3A_43 : memref<10000x128xf32, #tpu.memory_space<vmem_shared>>)
        tpu.yield
      }) : () -> ()
    }
    %scan3A_13 = arith.constant 125 : i32
    %barrier3A_14 = arith.constant 0 : index
    tpu.barrier barrier_id(%barrier3A_14)
    %mul3A_15 = arith.constant 624 : i32
    %mul3A_16 = arith.muli %arg1, %mul3A_15 : i32
    %mul3A_17 = arith.constant 624 : i32
    %mul3A_18 = arith.muli %arg1, %mul3A_17 : i32
    "tpu.region"() ({
      %run_scoped3A = tpu.sem_alloc : memref<!tpu.dma_semaphore, #tpu.memory_space<semaphore_mem>>
      %dma_start3A = arith.constant 0 : i32
      %dma_start3A_24 = tpu.memref_slice %arg7[%arg0, %mul3A_18, %dma_start3A] : memref<2x10000x128xf32, #tpu.memory_space<hbm>> -> memref<1x624x128xf32, #tpu.memory_space<hbm>>
      %dma_start3A_25 = tpu.memref_squeeze %dma_start3A_24 : memref<1x624x128xf32, #tpu.memory_space<hbm>> -> memref<624x128xf32, #tpu.memory_space<hbm>>
      %dma_start3A_26 = arith.constant 0 : i32
      %dma_start3A_27 = tpu.memref_slice %arg8[%mul3A_16, %dma_start3A_26] : memref<10000x128xf32, #tpu.memory_space<vmem_shared>> -> memref<624x128xf32, #tpu.memory_space<vmem_shared>>
      tpu.enqueue_dma source(%dma_start3A_27 : memref<624x128xf32, #tpu.memory_space<vmem_shared>>) target(%dma_start3A_25 : memref<624x128xf32, #tpu.memory_space<hbm>>) target_semaphore(%run_scoped3A : memref<!tpu.dma_semaphore, #tpu.memory_space<semaphore_mem>>)
      %dma_wait3A = arith.constant 0 : i32
      %dma_wait3A_28 = tpu.memref_slice %arg7[%arg0, %mul3A_18, %dma_wait3A] : memref<2x10000x128xf32, #tpu.memory_space<hbm>> -> memref<1x624x128xf32, #tpu.memory_space<hbm>>
      %dma_wait3A_29 = tpu.memref_squeeze %dma_wait3A_28 : memref<1x624x128xf32, #tpu.memory_space<hbm>> -> memref<624x128xf32, #tpu.memory_space<hbm>>
      %dma_wait3A_30 = arith.constant 0 : i32
      %dma_wait3A_31 = tpu.memref_slice %arg8[%mul3A_16, %dma_wait3A_30] : memref<10000x128xf32, #tpu.memory_space<vmem_shared>> -> memref<624x128xf32, #tpu.memory_space<vmem_shared>>
      tpu.wait_dma2 semaphore(%run_scoped3A : memref<!tpu.dma_semaphore, #tpu.memory_space<semaphore_mem>>) src(%dma_wait3A_31 : memref<624x128xf32, #tpu.memory_space<vmem_shared>>) dst(%dma_wait3A_29 : memref<624x128xf32, #tpu.memory_space<hbm>>)
      tpu.yield
    }) : () -> ()
    %eq3A_19 = arith.constant 15 : i32
    %eq3A_20 = arith.cmpi eq, %arg1, %eq3A_19 : i32
    %convert_element_type3A_21 = arith.extui %eq3A_20 : i1 to i32
    %cond3A_22 = arith.constant 0 : i32
    %cond3A_23 = arith.cmpi ne, %convert_element_type3A_21, %cond3A_22 : i32
    scf.if %cond3A_23 {
      "tpu.region"() ({
        %run_scoped3A = tpu.sem_alloc : memref<!tpu.dma_semaphore, #tpu.memory_space<semaphore_mem>>
        %dma_start3A = arith.constant 9984 : i32
        %dma_start3A_24 = arith.constant 0 : i32
        %dma_start3A_25 = tpu.memref_slice %arg7[%arg0, %dma_start3A, %dma_start3A_24] : memref<2x10000x128xf32, #tpu.memory_space<hbm>> -> memref<1x16x128xf32, #tpu.memory_space<hbm>>
        %dma_start3A_26 = tpu.memref_squeeze %dma_start3A_25 : memref<1x16x128xf32, #tpu.memory_space<hbm>> -> memref<16x128xf32, #tpu.memory_space<hbm>>
        %dma_start3A_27 = arith.constant 9984 : i32
        %dma_start3A_28 = arith.constant 0 : i32
        %dma_start3A_29 = tpu.memref_slice %arg8[%dma_start3A_27, %dma_start3A_28] : memref<10000x128xf32, #tpu.memory_space<vmem_shared>> -> memref<16x128xf32, #tpu.memory_space<vmem_shared>>
        tpu.enqueue_dma source(%dma_start3A_29 : memref<16x128xf32, #tpu.memory_space<vmem_shared>>) target(%dma_start3A_26 : memref<16x128xf32, #tpu.memory_space<hbm>>) target_semaphore(%run_scoped3A : memref<!tpu.dma_semaphore, #tpu.memory_space<semaphore_mem>>)
        %dma_wait3A = arith.constant 9984 : i32
        %dma_wait3A_30 = arith.constant 0 : i32
        %dma_wait3A_31 = tpu.memref_slice %arg7[%arg0, %dma_wait3A, %dma_wait3A_30] : memref<2x10000x128xf32, #tpu.memory_space<hbm>> -> memref<1x16x128xf32, #tpu.memory_space<hbm>>
        %dma_wait3A_32 = tpu.memref_squeeze %dma_wait3A_31 : memref<1x16x128xf32, #tpu.memory_space<hbm>> -> memref<16x128xf32, #tpu.memory_space<hbm>>
        %dma_wait3A_33 = arith.constant 9984 : i32
        %dma_wait3A_34 = arith.constant 0 : i32
        %dma_wait3A_35 = tpu.memref_slice %arg8[%dma_wait3A_33, %dma_wait3A_34] : memref<10000x128xf32, #tpu.memory_space<vmem_shared>> -> memref<16x128xf32, #tpu.memory_space<vmem_shared>>
        tpu.wait_dma2 semaphore(%run_scoped3A : memref<!tpu.dma_semaphore, #tpu.memory_space<semaphore_mem>>) src(%dma_wait3A_35 : memref<16x128xf32, #tpu.memory_space<vmem_shared>>) dst(%dma_wait3A_32 : memref<16x128xf32, #tpu.memory_space<hbm>>)
        tpu.yield
      }) : () -> ()
    } else {
    }
    return
  }
}

#map = affine_map<(d0, d1) -> (0, 0)>
#map1 = affine_map<(d0, d1) -> (0)>
#map2 = affine_map<(d0, d1) -> (0, 0, 0)>
module attributes {stable_mosaic.version = 14 : i64} {
  func.func @k(%arg0: i32, %arg1: i32, %arg2: memref<10000x128xf32, #tpu.memory_space<hbm>>, %arg3: memref<320000xi32, #tpu.memory_space<hbm>>, %arg4: memref<320000xi32, #tpu.memory_space<hbm>>, %arg5: memref<320000x128xf32, #tpu.memory_space<hbm>>, %arg6: memref<10000x128xf32, #tpu.memory_space<hbm>>, %arg7: memref<2x10000x128xf32, #tpu.memory_space<hbm>>, %arg8: memref<10000x128xf32, #tpu.memory_space<vmem_shared>>, %arg9: memref<80xi32, #tpu.memory_space<vmem>>, %arg10: memref<80xi32, #tpu.memory_space<vmem>>, %arg11: memref<80x128xf32, #tpu.memory_space<vmem>>, %arg12: memref<80x128xf32, #tpu.memory_space<vmem>>, %arg13: memref<!tpu.dma_semaphore, #tpu.memory_space<semaphore_mem>>) attributes {dimension_semantics = [#tpu.dimension_semantics<core_parallel>, #tpu.dimension_semantics<subcore_parallel>], iteration_bounds = array<i64: 2, 16>, scalar_prefetch = 0 : i64, scratch_operands = 6 : i64, tpu.core_type = #tpu.core_type<sc_vector_subcore>, window_params = [{transform_indices = #map}, {transform_indices = #map1}, {transform_indices = #map1}, {transform_indices = #map}, {transform_indices = #map}, {transform_indices = #map2}]} {
    %mul3A = arith.constant 2 : i32
    %mul3A_0 = arith.muli %arg1, %mul3A : i32
    %add3A = arith.addi %mul3A_0, %arg0 : i32
    %mul3A_1 = arith.constant 624 : i32
    %mul3A_2 = arith.muli %arg1, %mul3A_1 : i32
    %mul3A_3 = arith.constant 624 : i32
    %mul3A_4 = arith.muli %arg1, %mul3A_3 : i32
    "tpu.region"() ({
      %run_scoped3A = tpu.sem_alloc : memref<!tpu.dma_semaphore, #tpu.memory_space<semaphore_mem>>
      %dma_start3A = arith.constant 0 : i32
      %dma_start3A_24 = tpu.memref_slice %arg8[%mul3A_4, %dma_start3A] : memref<10000x128xf32, #tpu.memory_space<vmem_shared>> -> memref<624x128xf32, #tpu.memory_space<vmem_shared>>
      %dma_start3A_25 = arith.constant 0 : i32
      %dma_start3A_26 = tpu.memref_slice %arg6[%mul3A_2, %dma_start3A_25] : memref<10000x128xf32, #tpu.memory_space<hbm>> -> memref<624x128xf32, #tpu.memory_space<hbm>>
      tpu.enqueue_dma source(%dma_start3A_26 : memref<624x128xf32, #tpu.memory_space<hbm>>) target(%dma_start3A_24 : memref<624x128xf32, #tpu.memory_space<vmem_shared>>) target_semaphore(%run_scoped3A : memref<!tpu.dma_semaphore, #tpu.memory_space<semaphore_mem>>)
      %dma_wait3A = arith.constant 0 : i32
      %dma_wait3A_27 = tpu.memref_slice %arg8[%mul3A_4, %dma_wait3A] : memref<10000x128xf32, #tpu.memory_space<vmem_shared>> -> memref<624x128xf32, #tpu.memory_space<vmem_shared>>
      %dma_wait3A_28 = arith.constant 0 : i32
      %dma_wait3A_29 = tpu.memref_slice %arg6[%mul3A_2, %dma_wait3A_28] : memref<10000x128xf32, #tpu.memory_space<hbm>> -> memref<624x128xf32, #tpu.memory_space<hbm>>
      tpu.wait_dma2 semaphore(%run_scoped3A : memref<!tpu.dma_semaphore, #tpu.memory_space<semaphore_mem>>) src(%dma_wait3A_29 : memref<624x128xf32, #tpu.memory_space<hbm>>) dst(%dma_wait3A_27 : memref<624x128xf32, #tpu.memory_space<vmem_shared>>)
      tpu.yield
    }) : () -> ()
    %eq3A = arith.constant 15 : i32
    %eq3A_5 = arith.cmpi eq, %arg1, %eq3A : i32
    %convert_element_type3A = arith.extui %eq3A_5 : i1 to i32
    %cond3A = arith.constant 0 : i32
    %cond3A_6 = arith.cmpi ne, %convert_element_type3A, %cond3A : i32
    scf.if %cond3A_6 {
      "tpu.region"() ({
        %run_scoped3A = tpu.sem_alloc : memref<!tpu.dma_semaphore, #tpu.memory_space<semaphore_mem>>
        %dma_start3A = arith.constant 9984 : i32
        %dma_start3A_24 = arith.constant 0 : i32
        %dma_start3A_25 = tpu.memref_slice %arg8[%dma_start3A, %dma_start3A_24] : memref<10000x128xf32, #tpu.memory_space<vmem_shared>> -> memref<16x128xf32, #tpu.memory_space<vmem_shared>>
        %dma_start3A_26 = arith.constant 9984 : i32
        %dma_start3A_27 = arith.constant 0 : i32
        %dma_start3A_28 = tpu.memref_slice %arg6[%dma_start3A_26, %dma_start3A_27] : memref<10000x128xf32, #tpu.memory_space<hbm>> -> memref<16x128xf32, #tpu.memory_space<hbm>>
        tpu.enqueue_dma source(%dma_start3A_28 : memref<16x128xf32, #tpu.memory_space<hbm>>) target(%dma_start3A_25 : memref<16x128xf32, #tpu.memory_space<vmem_shared>>) target_semaphore(%run_scoped3A : memref<!tpu.dma_semaphore, #tpu.memory_space<semaphore_mem>>)
        %dma_wait3A = arith.constant 9984 : i32
        %dma_wait3A_29 = arith.constant 0 : i32
        %dma_wait3A_30 = tpu.memref_slice %arg8[%dma_wait3A, %dma_wait3A_29] : memref<10000x128xf32, #tpu.memory_space<vmem_shared>> -> memref<16x128xf32, #tpu.memory_space<vmem_shared>>
        %dma_wait3A_31 = arith.constant 9984 : i32
        %dma_wait3A_32 = arith.constant 0 : i32
        %dma_wait3A_33 = tpu.memref_slice %arg6[%dma_wait3A_31, %dma_wait3A_32] : memref<10000x128xf32, #tpu.memory_space<hbm>> -> memref<16x128xf32, #tpu.memory_space<hbm>>
        tpu.wait_dma2 semaphore(%run_scoped3A : memref<!tpu.dma_semaphore, #tpu.memory_space<semaphore_mem>>) src(%dma_wait3A_33 : memref<16x128xf32, #tpu.memory_space<hbm>>) dst(%dma_wait3A_30 : memref<16x128xf32, #tpu.memory_space<vmem_shared>>)
        tpu.yield
      }) : () -> ()
    } else {
    }
    %barrier3A = arith.constant 0 : index
    tpu.barrier barrier_id(%barrier3A)
    %mul3A_7 = arith.constant 10000 : i32
    %mul3A_8 = arith.muli %add3A, %mul3A_7 : i32
    %scan3A = arith.constant 0 : i32
    %scan3A_9 = arith.constant 0 : i32
    %scan3A_10 = arith.constant 125 : i32
    %scan3A_11 = arith.addi %scan3A_9, %scan3A_10 : i32
    %scan3A_12 = arith.constant 1 : i32
    scf.for %scan3A_24 = %scan3A_9 to %scan3A_11 step %scan3A_12  : i32 {
      %mul3A_25 = arith.constant 80 : i32
      %mul3A_26 = arith.muli %scan3A_24, %mul3A_25 : i32
      %add3A_27 = arith.addi %mul3A_8, %mul3A_26 : i32
      "tpu.region"() ({
        %run_scoped3A = tpu.sem_alloc : memref<!tpu.dma_semaphore, #tpu.memory_space<semaphore_mem>>
        %dma_start3A_38 = tpu.memref_slice %arg3[%add3A_27] : memref<320000xi32, #tpu.memory_space<hbm>> -> memref<80xi32, #tpu.memory_space<hbm>>
        %dma_start3A_39 = tpu.memref_slice %arg3[%add3A_27] : memref<320000xi32, #tpu.memory_space<hbm>> -> memref<80xi32, #tpu.memory_space<hbm>>
        tpu.enqueue_dma source(%dma_start3A_39 : memref<80xi32, #tpu.memory_space<hbm>>) target(%arg9 : memref<80xi32, #tpu.memory_space<vmem>>) target_semaphore(%run_scoped3A : memref<!tpu.dma_semaphore, #tpu.memory_space<semaphore_mem>>)
        %dma_wait3A_40 = tpu.memref_slice %arg3[%add3A_27] : memref<320000xi32, #tpu.memory_space<hbm>> -> memref<80xi32, #tpu.memory_space<hbm>>
        %dma_wait3A_41 = tpu.memref_slice %arg3[%add3A_27] : memref<320000xi32, #tpu.memory_space<hbm>> -> memref<80xi32, #tpu.memory_space<hbm>>
        tpu.wait_dma2 semaphore(%run_scoped3A : memref<!tpu.dma_semaphore, #tpu.memory_space<semaphore_mem>>) src(%dma_wait3A_41 : memref<80xi32, #tpu.memory_space<hbm>>) dst(%arg9 : memref<80xi32, #tpu.memory_space<vmem>>)
        tpu.yield
      }) : () -> ()
      "tpu.region"() ({
        %run_scoped3A = tpu.sem_alloc : memref<!tpu.dma_semaphore, #tpu.memory_space<semaphore_mem>>
        %dma_start3A_38 = tpu.memref_slice %arg4[%add3A_27] : memref<320000xi32, #tpu.memory_space<hbm>> -> memref<80xi32, #tpu.memory_space<hbm>>
        %dma_start3A_39 = tpu.memref_slice %arg4[%add3A_27] : memref<320000xi32, #tpu.memory_space<hbm>> -> memref<80xi32, #tpu.memory_space<hbm>>
        tpu.enqueue_dma source(%dma_start3A_39 : memref<80xi32, #tpu.memory_space<hbm>>) target(%arg10 : memref<80xi32, #tpu.memory_space<vmem>>) target_semaphore(%run_scoped3A : memref<!tpu.dma_semaphore, #tpu.memory_space<semaphore_mem>>)
        %dma_wait3A_40 = tpu.memref_slice %arg4[%add3A_27] : memref<320000xi32, #tpu.memory_space<hbm>> -> memref<80xi32, #tpu.memory_space<hbm>>
        %dma_wait3A_41 = tpu.memref_slice %arg4[%add3A_27] : memref<320000xi32, #tpu.memory_space<hbm>> -> memref<80xi32, #tpu.memory_space<hbm>>
        tpu.wait_dma2 semaphore(%run_scoped3A : memref<!tpu.dma_semaphore, #tpu.memory_space<semaphore_mem>>) src(%dma_wait3A_41 : memref<80xi32, #tpu.memory_space<hbm>>) dst(%arg10 : memref<80xi32, #tpu.memory_space<vmem>>)
        tpu.yield
      }) : () -> ()
      "tpu.region"() ({
        %run_scoped3A = tpu.sem_alloc : memref<!tpu.dma_semaphore, #tpu.memory_space<semaphore_mem>>
        %dma_start3A_38 = arith.constant 0 : i32
        %dma_start3A_39 = tpu.memref_slice %arg5[%add3A_27, %dma_start3A_38] : memref<320000x128xf32, #tpu.memory_space<hbm>> -> memref<80x128xf32, #tpu.memory_space<hbm>>
        %dma_start3A_40 = arith.constant 0 : i32
        %dma_start3A_41 = tpu.memref_slice %arg5[%add3A_27, %dma_start3A_40] : memref<320000x128xf32, #tpu.memory_space<hbm>> -> memref<80x128xf32, #tpu.memory_space<hbm>>
        tpu.enqueue_dma source(%dma_start3A_41 : memref<80x128xf32, #tpu.memory_space<hbm>>) target(%arg11 : memref<80x128xf32, #tpu.memory_space<vmem>>) target_semaphore(%run_scoped3A : memref<!tpu.dma_semaphore, #tpu.memory_space<semaphore_mem>>)
        %dma_wait3A_42 = arith.constant 0 : i32
        %dma_wait3A_43 = tpu.memref_slice %arg5[%add3A_27, %dma_wait3A_42] : memref<320000x128xf32, #tpu.memory_space<hbm>> -> memref<80x128xf32, #tpu.memory_space<hbm>>
        %dma_wait3A_44 = arith.constant 0 : i32
        %dma_wait3A_45 = tpu.memref_slice %arg5[%add3A_27, %dma_wait3A_44] : memref<320000x128xf32, #tpu.memory_space<hbm>> -> memref<80x128xf32, #tpu.memory_space<hbm>>
        tpu.wait_dma2 semaphore(%run_scoped3A : memref<!tpu.dma_semaphore, #tpu.memory_space<semaphore_mem>>) src(%dma_wait3A_45 : memref<80x128xf32, #tpu.memory_space<hbm>>) dst(%arg11 : memref<80x128xf32, #tpu.memory_space<vmem>>)
        tpu.yield
      }) : () -> ()
      %dma_start3A = arith.constant 0 : i32
      %dma_start3A_28 = arith.constant 0 : i32
      %dma_start3A_29 = tpu.memref_slice %arg2[%dma_start3A, %dma_start3A_28] : memref<10000x128xf32, #tpu.memory_space<hbm>> -> memref<10000x128xf32, #tpu.memory_space<hbm>>
      tpu.enqueue_indirect_dma source(%dma_start3A_29 : memref<10000x128xf32, #tpu.memory_space<hbm>>) target(%arg12 : memref<80x128xf32, #tpu.memory_space<vmem>>) offsets(%arg9 : memref<80xi32, #tpu.memory_space<vmem>>) semaphore(%arg13 : memref<!tpu.dma_semaphore, #tpu.memory_space<semaphore_mem>>)
      %dma_wait3A = arith.constant 0 : i32
      %dma_wait3A_30 = arith.constant 0 : i32
      %dma_wait3A_31 = tpu.memref_slice %arg2[%dma_wait3A, %dma_wait3A_30] : memref<10000x128xf32, #tpu.memory_space<hbm>> -> memref<10000x128xf32, #tpu.memory_space<hbm>>
      tpu.wait_indirect_dma semaphore(%arg13 : memref<!tpu.dma_semaphore, #tpu.memory_space<semaphore_mem>>) src(%dma_wait3A_31 : memref<10000x128xf32, #tpu.memory_space<hbm>>) dst(%arg12 : memref<80x128xf32, #tpu.memory_space<vmem>>)
      %scan3A_32 = arith.constant 0 : i32
      %scan3A_33 = arith.constant 0 : i32
      %scan3A_34 = arith.constant 80 : i32
      %scan3A_35 = arith.addi %scan3A_33, %scan3A_34 : i32
      %scan3A_36 = arith.constant 1 : i32
      scf.for %scan3A_38 = %scan3A_33 to %scan3A_35 step %scan3A_36  : i32 {
        %get3A = arith.index_cast %scan3A_38 : i32 to index
        %get3A_39 = arith.constant 0 : index
        %get3A_40 = tpu.vector_load %arg12[%get3A, %get3A_39] {strides = array<i32>} : memref<80x128xf32, #tpu.memory_space<vmem>>, vector<1x16xf32>,
        %get3A_41 = vector.shape_cast %get3A_40 : vector<1x16xf32> to vector<16xf32>
        %get3A_42 = arith.index_cast %scan3A_38 : i32 to index
        %get3A_43 = arith.constant 0 : index
        %get3A_44 = tpu.vector_load %arg11[%get3A_42, %get3A_43] {strides = array<i32>} : memref<80x128xf32, #tpu.memory_space<vmem>>, vector<1x16xf32>,
        %get3A_45 = vector.shape_cast %get3A_44 : vector<1x16xf32> to vector<16xf32>
        %add3A_46 = arith.addf %get3A_41, %get3A_45 : vector<16xf32>
        %max3A = arith.constant 0.000000e+00 : f32
        %max3A_47 = vector.broadcast %max3A : f32 to vector<16xf32>
        %max3A_48 = arith.maximumf %add3A_46, %max3A_47 : vector<16xf32>
        %swap3A = arith.index_cast %scan3A_38 : i32 to index
        %swap3A_49 = arith.constant 0 : index
        %swap3A_50 = tpu.vector_load %arg12[%swap3A, %swap3A_49] {strides = array<i32>} : memref<80x128xf32, #tpu.memory_space<vmem>>, vector<1x16xf32>,
        %swap3A_51 = vector.shape_cast %swap3A_50 : vector<1x16xf32> to vector<16xf32>
        %swap3A_52 = vector.shape_cast %max3A_48 : vector<16xf32> to vector<1x16xf32>
        tpu.vector_store %arg12[%swap3A, %swap3A_49], %swap3A_52 {strides = array<i32>} : memref<80x128xf32, #tpu.memory_space<vmem>>, vector<1x16xf32>,
        %get3A_53 = arith.index_cast %scan3A_38 : i32 to index
        %get3A_54 = arith.constant 16 : index
        %get3A_55 = tpu.vector_load %arg12[%get3A_53, %get3A_54] {strides = array<i32>} : memref<80x128xf32, #tpu.memory_space<vmem>>, vector<1x16xf32>,
        %get3A_56 = vector.shape_cast %get3A_55 : vector<1x16xf32> to vector<16xf32>
        %get3A_57 = arith.index_cast %scan3A_38 : i32 to index
        %get3A_58 = arith.constant 16 : index
        %get3A_59 = tpu.vector_load %arg11[%get3A_57, %get3A_58] {strides = array<i32>} : memref<80x128xf32, #tpu.memory_space<vmem>>, vector<1x16xf32>,
        %get3A_60 = vector.shape_cast %get3A_59 : vector<1x16xf32> to vector<16xf32>
        %add3A_61 = arith.addf %get3A_56, %get3A_60 : vector<16xf32>
        %max3A_62 = arith.constant 0.000000e+00 : f32
        %max3A_63 = vector.broadcast %max3A_62 : f32 to vector<16xf32>
        %max3A_64 = arith.maximumf %add3A_61, %max3A_63 : vector<16xf32>
        %swap3A_65 = arith.index_cast %scan3A_38 : i32 to index
        %swap3A_66 = arith.constant 16 : index
        %swap3A_67 = tpu.vector_load %arg12[%swap3A_65, %swap3A_66] {strides = array<i32>} : memref<80x128xf32, #tpu.memory_space<vmem>>, vector<1x16xf32>,
        %swap3A_68 = vector.shape_cast %swap3A_67 : vector<1x16xf32> to vector<16xf32>
        %swap3A_69 = vector.shape_cast %max3A_64 : vector<16xf32> to vector<1x16xf32>
        tpu.vector_store %arg12[%swap3A_65, %swap3A_66], %swap3A_69 {strides = array<i32>} : memref<80x128xf32, #tpu.memory_space<vmem>>, vector<1x16xf32>,
        %get3A_70 = arith.index_cast %scan3A_38 : i32 to index
        %get3A_71 = arith.constant 32 : index
        %get3A_72 = tpu.vector_load %arg12[%get3A_70, %get3A_71] {strides = array<i32>} : memref<80x128xf32, #tpu.memory_space<vmem>>, vector<1x16xf32>,
        %get3A_73 = vector.shape_cast %get3A_72 : vector<1x16xf32> to vector<16xf32>
        %get3A_74 = arith.index_cast %scan3A_38 : i32 to index
        %get3A_75 = arith.constant 32 : index
        %get3A_76 = tpu.vector_load %arg11[%get3A_74, %get3A_75] {strides = array<i32>} : memref<80x128xf32, #tpu.memory_space<vmem>>, vector<1x16xf32>,
        %get3A_77 = vector.shape_cast %get3A_76 : vector<1x16xf32> to vector<16xf32>
        %add3A_78 = arith.addf %get3A_73, %get3A_77 : vector<16xf32>
        %max3A_79 = arith.constant 0.000000e+00 : f32
        %max3A_80 = vector.broadcast %max3A_79 : f32 to vector<16xf32>
        %max3A_81 = arith.maximumf %add3A_78, %max3A_80 : vector<16xf32>
        %swap3A_82 = arith.index_cast %scan3A_38 : i32 to index
        %swap3A_83 = arith.constant 32 : index
        %swap3A_84 = tpu.vector_load %arg12[%swap3A_82, %swap3A_83] {strides = array<i32>} : memref<80x128xf32, #tpu.memory_space<vmem>>, vector<1x16xf32>,
        %swap3A_85 = vector.shape_cast %swap3A_84 : vector<1x16xf32> to vector<16xf32>
        %swap3A_86 = vector.shape_cast %max3A_81 : vector<16xf32> to vector<1x16xf32>
        tpu.vector_store %arg12[%swap3A_82, %swap3A_83], %swap3A_86 {strides = array<i32>} : memref<80x128xf32, #tpu.memory_space<vmem>>, vector<1x16xf32>,
        %get3A_87 = arith.index_cast %scan3A_38 : i32 to index
        %get3A_88 = arith.constant 48 : index
        %get3A_89 = tpu.vector_load %arg12[%get3A_87, %get3A_88] {strides = array<i32>} : memref<80x128xf32, #tpu.memory_space<vmem>>, vector<1x16xf32>,
        %get3A_90 = vector.shape_cast %get3A_89 : vector<1x16xf32> to vector<16xf32>
        %get3A_91 = arith.index_cast %scan3A_38 : i32 to index
        %get3A_92 = arith.constant 48 : index
        %get3A_93 = tpu.vector_load %arg11[%get3A_91, %get3A_92] {strides = array<i32>} : memref<80x128xf32, #tpu.memory_space<vmem>>, vector<1x16xf32>,
        %get3A_94 = vector.shape_cast %get3A_93 : vector<1x16xf32> to vector<16xf32>
        %add3A_95 = arith.addf %get3A_90, %get3A_94 : vector<16xf32>
        %max3A_96 = arith.constant 0.000000e+00 : f32
        %max3A_97 = vector.broadcast %max3A_96 : f32 to vector<16xf32>
        %max3A_98 = arith.maximumf %add3A_95, %max3A_97 : vector<16xf32>
        %swap3A_99 = arith.index_cast %scan3A_38 : i32 to index
        %swap3A_100 = arith.constant 48 : index
        %swap3A_101 = tpu.vector_load %arg12[%swap3A_99, %swap3A_100] {strides = array<i32>} : memref<80x128xf32, #tpu.memory_space<vmem>>, vector<1x16xf32>,
        %swap3A_102 = vector.shape_cast %swap3A_101 : vector<1x16xf32> to vector<16xf32>
        %swap3A_103 = vector.shape_cast %max3A_98 : vector<16xf32> to vector<1x16xf32>
        tpu.vector_store %arg12[%swap3A_99, %swap3A_100], %swap3A_103 {strides = array<i32>} : memref<80x128xf32, #tpu.memory_space<vmem>>, vector<1x16xf32>,
        %get3A_104 = arith.index_cast %scan3A_38 : i32 to index
        %get3A_105 = arith.constant 64 : index
        %get3A_106 = tpu.vector_load %arg12[%get3A_104, %get3A_105] {strides = array<i32>} : memref<80x128xf32, #tpu.memory_space<vmem>>, vector<1x16xf32>,
        %get3A_107 = vector.shape_cast %get3A_106 : vector<1x16xf32> to vector<16xf32>
        %get3A_108 = arith.index_cast %scan3A_38 : i32 to index
        %get3A_109 = arith.constant 64 : index
        %get3A_110 = tpu.vector_load %arg11[%get3A_108, %get3A_109] {strides = array<i32>} : memref<80x128xf32, #tpu.memory_space<vmem>>, vector<1x16xf32>,
        %get3A_111 = vector.shape_cast %get3A_110 : vector<1x16xf32> to vector<16xf32>
        %add3A_112 = arith.addf %get3A_107, %get3A_111 : vector<16xf32>
        %max3A_113 = arith.constant 0.000000e+00 : f32
        %max3A_114 = vector.broadcast %max3A_113 : f32 to vector<16xf32>
        %max3A_115 = arith.maximumf %add3A_112, %max3A_114 : vector<16xf32>
        %swap3A_116 = arith.index_cast %scan3A_38 : i32 to index
        %swap3A_117 = arith.constant 64 : index
        %swap3A_118 = tpu.vector_load %arg12[%swap3A_116, %swap3A_117] {strides = array<i32>} : memref<80x128xf32, #tpu.memory_space<vmem>>, vector<1x16xf32>,
        %swap3A_119 = vector.shape_cast %swap3A_118 : vector<1x16xf32> to vector<16xf32>
        %swap3A_120 = vector.shape_cast %max3A_115 : vector<16xf32> to vector<1x16xf32>
        tpu.vector_store %arg12[%swap3A_116, %swap3A_117], %swap3A_120 {strides = array<i32>} : memref<80x128xf32, #tpu.memory_space<vmem>>, vector<1x16xf32>,
        %get3A_121 = arith.index_cast %scan3A_38 : i32 to index
        %get3A_122 = arith.constant 80 : index
        %get3A_123 = tpu.vector_load %arg12[%get3A_121, %get3A_122] {strides = array<i32>} : memref<80x128xf32, #tpu.memory_space<vmem>>, vector<1x16xf32>,
        %get3A_124 = vector.shape_cast %get3A_123 : vector<1x16xf32> to vector<16xf32>
        %get3A_125 = arith.index_cast %scan3A_38 : i32 to index
        %get3A_126 = arith.constant 80 : index
        %get3A_127 = tpu.vector_load %arg11[%get3A_125, %get3A_126] {strides = array<i32>} : memref<80x128xf32, #tpu.memory_space<vmem>>, vector<1x16xf32>,
        %get3A_128 = vector.shape_cast %get3A_127 : vector<1x16xf32> to vector<16xf32>
        %add3A_129 = arith.addf %get3A_124, %get3A_128 : vector<16xf32>
        %max3A_130 = arith.constant 0.000000e+00 : f32
        %max3A_131 = vector.broadcast %max3A_130 : f32 to vector<16xf32>
        %max3A_132 = arith.maximumf %add3A_129, %max3A_131 : vector<16xf32>
        %swap3A_133 = arith.index_cast %scan3A_38 : i32 to index
        %swap3A_134 = arith.constant 80 : index
        %swap3A_135 = tpu.vector_load %arg12[%swap3A_133, %swap3A_134] {strides = array<i32>} : memref<80x128xf32, #tpu.memory_space<vmem>>, vector<1x16xf32>,
        %swap3A_136 = vector.shape_cast %swap3A_135 : vector<1x16xf32> to vector<16xf32>
        %swap3A_137 = vector.shape_cast %max3A_132 : vector<16xf32> to vector<1x16xf32>
        tpu.vector_store %arg12[%swap3A_133, %swap3A_134], %swap3A_137 {strides = array<i32>} : memref<80x128xf32, #tpu.memory_space<vmem>>, vector<1x16xf32>,
        %get3A_138 = arith.index_cast %scan3A_38 : i32 to index
        %get3A_139 = arith.constant 96 : index
        %get3A_140 = tpu.vector_load %arg12[%get3A_138, %get3A_139] {strides = array<i32>} : memref<80x128xf32, #tpu.memory_space<vmem>>, vector<1x16xf32>,
        %get3A_141 = vector.shape_cast %get3A_140 : vector<1x16xf32> to vector<16xf32>
        %get3A_142 = arith.index_cast %scan3A_38 : i32 to index
        %get3A_143 = arith.constant 96 : index
        %get3A_144 = tpu.vector_load %arg11[%get3A_142, %get3A_143] {strides = array<i32>} : memref<80x128xf32, #tpu.memory_space<vmem>>, vector<1x16xf32>,
        %get3A_145 = vector.shape_cast %get3A_144 : vector<1x16xf32> to vector<16xf32>
        %add3A_146 = arith.addf %get3A_141, %get3A_145 : vector<16xf32>
        %max3A_147 = arith.constant 0.000000e+00 : f32
        %max3A_148 = vector.broadcast %max3A_147 : f32 to vector<16xf32>
        %max3A_149 = arith.maximumf %add3A_146, %max3A_148 : vector<16xf32>
        %swap3A_150 = arith.index_cast %scan3A_38 : i32 to index
        %swap3A_151 = arith.constant 96 : index
        %swap3A_152 = tpu.vector_load %arg12[%swap3A_150, %swap3A_151] {strides = array<i32>} : memref<80x128xf32, #tpu.memory_space<vmem>>, vector<1x16xf32>,
        %swap3A_153 = vector.shape_cast %swap3A_152 : vector<1x16xf32> to vector<16xf32>
        %swap3A_154 = vector.shape_cast %max3A_149 : vector<16xf32> to vector<1x16xf32>
        tpu.vector_store %arg12[%swap3A_150, %swap3A_151], %swap3A_154 {strides = array<i32>} : memref<80x128xf32, #tpu.memory_space<vmem>>, vector<1x16xf32>,
        %get3A_155 = arith.index_cast %scan3A_38 : i32 to index
        %get3A_156 = arith.constant 112 : index
        %get3A_157 = tpu.vector_load %arg12[%get3A_155, %get3A_156] {strides = array<i32>} : memref<80x128xf32, #tpu.memory_space<vmem>>, vector<1x16xf32>,
        %get3A_158 = vector.shape_cast %get3A_157 : vector<1x16xf32> to vector<16xf32>
        %get3A_159 = arith.index_cast %scan3A_38 : i32 to index
        %get3A_160 = arith.constant 112 : index
        %get3A_161 = tpu.vector_load %arg11[%get3A_159, %get3A_160] {strides = array<i32>} : memref<80x128xf32, #tpu.memory_space<vmem>>, vector<1x16xf32>,
        %get3A_162 = vector.shape_cast %get3A_161 : vector<1x16xf32> to vector<16xf32>
        %add3A_163 = arith.addf %get3A_158, %get3A_162 : vector<16xf32>
        %max3A_164 = arith.constant 0.000000e+00 : f32
        %max3A_165 = vector.broadcast %max3A_164 : f32 to vector<16xf32>
        %max3A_166 = arith.maximumf %add3A_163, %max3A_165 : vector<16xf32>
        %swap3A_167 = arith.index_cast %scan3A_38 : i32 to index
        %swap3A_168 = arith.constant 112 : index
        %swap3A_169 = tpu.vector_load %arg12[%swap3A_167, %swap3A_168] {strides = array<i32>} : memref<80x128xf32, #tpu.memory_space<vmem>>, vector<1x16xf32>,
        %swap3A_170 = vector.shape_cast %swap3A_169 : vector<1x16xf32> to vector<16xf32>
        %swap3A_171 = vector.shape_cast %max3A_166 : vector<16xf32> to vector<1x16xf32>
        tpu.vector_store %arg12[%swap3A_167, %swap3A_168], %swap3A_171 {strides = array<i32>} : memref<80x128xf32, #tpu.memory_space<vmem>>, vector<1x16xf32>,
      }
      %scan3A_37 = arith.constant 80 : i32
      "tpu.region"() ({
        %run_scoped3A = tpu.sem_alloc : memref<!tpu.dma_semaphore, #tpu.memory_space<semaphore_mem>>
        %dma_start3A_38 = arith.constant 0 : i32
        %dma_start3A_39 = arith.constant 0 : i32
        %dma_start3A_40 = tpu.memref_slice %arg8[%dma_start3A_38, %dma_start3A_39] : memref<10000x128xf32, #tpu.memory_space<vmem_shared>> -> memref<10000x128xf32, #tpu.memory_space<vmem_shared>>
        tpu.enqueue_indirect_dma source(%arg12 : memref<80x128xf32, #tpu.memory_space<vmem>>) target(%dma_start3A_40 : memref<10000x128xf32, #tpu.memory_space<vmem_shared>>) offsets(%arg10 : memref<80xi32, #tpu.memory_space<vmem>>) semaphore(%run_scoped3A : memref<!tpu.dma_semaphore, #tpu.memory_space<semaphore_mem>>) {add = true}
        %dma_wait3A_41 = arith.constant 0 : i32
        %dma_wait3A_42 = arith.constant 0 : i32
        %dma_wait3A_43 = tpu.memref_slice %arg8[%dma_wait3A_41, %dma_wait3A_42] : memref<10000x128xf32, #tpu.memory_space<vmem_shared>> -> memref<10000x128xf32, #tpu.memory_space<vmem_shared>>
        tpu.wait_indirect_dma semaphore(%run_scoped3A : memref<!tpu.dma_semaphore, #tpu.memory_space<semaphore_mem>>) src(%arg12 : memref<80x128xf32, #tpu.memory_space<vmem>>) dst(%dma_wait3A_43 : memref<10000x128xf32, #tpu.memory_space<vmem_shared>>)
        tpu.yield
      }) : () -> ()
    }
    %scan3A_13 = arith.constant 125 : i32
    %barrier3A_14 = arith.constant 0 : index
    tpu.barrier barrier_id(%barrier3A_14)
    %mul3A_15 = arith.constant 624 : i32
    %mul3A_16 = arith.muli %arg1, %mul3A_15 : i32
    %mul3A_17 = arith.constant 624 : i32
    %mul3A_18 = arith.muli %arg1, %mul3A_17 : i32
    "tpu.region"() ({
      %run_scoped3A = tpu.sem_alloc : memref<!tpu.dma_semaphore, #tpu.memory_space<semaphore_mem>>
      %dma_start3A = arith.constant 0 : i32
      %dma_start3A_24 = tpu.memref_slice %arg7[%arg0, %mul3A_18, %dma_start3A] : memref<2x10000x128xf32, #tpu.memory_space<hbm>> -> memref<1x624x128xf32, #tpu.memory_space<hbm>>
      %dma_start3A_25 = tpu.memref_squeeze %dma_start3A_24 : memref<1x624x128xf32, #tpu.memory_space<hbm>> -> memref<624x128xf32, #tpu.memory_space<hbm>>
      %dma_start3A_26 = arith.constant 0 : i32
      %dma_start3A_27 = tpu.memref_slice %arg8[%mul3A_16, %dma_start3A_26] : memref<10000x128xf32, #tpu.memory_space<vmem_shared>> -> memref<624x128xf32, #tpu.memory_space<vmem_shared>>
      tpu.enqueue_dma source(%dma_start3A_27 : memref<624x128xf32, #tpu.memory_space<vmem_shared>>) target(%dma_start3A_25 : memref<624x128xf32, #tpu.memory_space<hbm>>) target_semaphore(%run_scoped3A : memref<!tpu.dma_semaphore, #tpu.memory_space<semaphore_mem>>)
      %dma_wait3A = arith.constant 0 : i32
      %dma_wait3A_28 = tpu.memref_slice %arg7[%arg0, %mul3A_18, %dma_wait3A] : memref<2x10000x128xf32, #tpu.memory_space<hbm>> -> memref<1x624x128xf32, #tpu.memory_space<hbm>>
      %dma_wait3A_29 = tpu.memref_squeeze %dma_wait3A_28 : memref<1x624x128xf32, #tpu.memory_space<hbm>> -> memref<624x128xf32, #tpu.memory_space<hbm>>
      %dma_wait3A_30 = arith.constant 0 : i32
      %dma_wait3A_31 = tpu.memref_slice %arg8[%mul3A_16, %dma_wait3A_30] : memref<10000x128xf32, #tpu.memory_space<vmem_shared>> -> memref<624x128xf32, #tpu.memory_space<vmem_shared>>
      tpu.wait_dma2 semaphore(%run_scoped3A : memref<!tpu.dma_semaphore, #tpu.memory_space<semaphore_mem>>) src(%dma_wait3A_31 : memref<624x128xf32, #tpu.memory_space<vmem_shared>>) dst(%dma_wait3A_29 : memref<624x128xf32, #tpu.memory_space<hbm>>)
      tpu.yield
    }) : () -> ()
    %eq3A_19 = arith.constant 15 : i32
    %eq3A_20 = arith.cmpi eq, %arg1, %eq3A_19 : i32
    %convert_element_type3A_21 = arith.extui %eq3A_20 : i1 to i32
    %cond3A_22 = arith.constant 0 : i32
    %cond3A_23 = arith.cmpi ne, %convert_element_type3A_21, %cond3A_22 : i32
    scf.if %cond3A_23 {
      "tpu.region"() ({
        %run_scoped3A = tpu.sem_alloc : memref<!tpu.dma_semaphore, #tpu.memory_space<semaphore_mem>>
        %dma_start3A = arith.constant 9984 : i32
        %dma_start3A_24 = arith.constant 0 : i32
        %dma_start3A_25 = tpu.memref_slice %arg7[%arg0, %dma_start3A, %dma_start3A_24] : memref<2x10000x128xf32, #tpu.memory_space<hbm>> -> memref<1x16x128xf32, #tpu.memory_space<hbm>>
        %dma_start3A_26 = tpu.memref_squeeze %dma_start3A_25 : memref<1x16x128xf32, #tpu.memory_space<hbm>> -> memref<16x128xf32, #tpu.memory_space<hbm>>
        %dma_start3A_27 = arith.constant 9984 : i32
        %dma_start3A_28 = arith.constant 0 : i32
        %dma_start3A_29 = tpu.memref_slice %arg8[%dma_start3A_27, %dma_start3A_28] : memref<10000x128xf32, #tpu.memory_space<vmem_shared>> -> memref<16x128xf32, #tpu.memory_space<vmem_shared>>
        tpu.enqueue_dma source(%dma_start3A_29 : memref<16x128xf32, #tpu.memory_space<vmem_shared>>) target(%dma_start3A_26 : memref<16x128xf32, #tpu.memory_space<hbm>>) target_semaphore(%run_scoped3A : memref<!tpu.dma_semaphore, #tpu.memory_space<semaphore_mem>>)
        %dma_wait3A = arith.constant 9984 : i32
        %dma_wait3A_30 = arith.constant 0 : i32
        %dma_wait3A_31 = tpu.memref_slice %arg7[%arg0, %dma_wait3A, %dma_wait3A_30] : memref<2x10000x128xf32, #tpu.memory_space<hbm>> -> memref<1x16x128xf32, #tpu.memory_space<hbm>>
        %dma_wait3A_32 = tpu.memref_squeeze %dma_wait3A_31 : memref<1x16x128xf32, #tpu.memory_space<hbm>> -> memref<16x128xf32, #tpu.memory_space<hbm>>
        %dma_wait3A_33 = arith.constant 9984 : i32
        %dma_wait3A_34 = arith.constant 0 : i32
        %dma_wait3A_35 = tpu.memref_slice %arg8[%dma_wait3A_33, %dma_wait3A_34] : memref<10000x128xf32, #tpu.memory_space<vmem_shared>> -> memref<16x128xf32, #tpu.memory_space<vmem_shared>>
        tpu.wait_dma2 semaphore(%run_scoped3A : memref<!tpu.dma_semaphore, #tpu.memory_space<semaphore_mem>>) src(%dma_wait3A_35 : memref<16x128xf32, #tpu.memory_space<vmem_shared>>) dst(%dma_wait3A_32 : memref<16x128xf32, #tpu.memory_space<hbm>>)
        tpu.yield
      }) : () -> ()
    } else {
    }
    return
  }
}

module attributes {stable_mosaic.version = 14 : i64} {
  func.func @k(%arg0: i32, %arg1: memref<4000x16xf32, #tpu.memory_space<vmem>>, %arg2: memref<16x128xf32, #tpu.memory_space<vmem>>, %arg3: memref<128xf32, #tpu.memory_space<vmem>>, %arg4: memref<4000x128xf32, #tpu.memory_space<vmem>>) attributes {dimension_semantics = [#tpu.dimension_semantics<arbitrary>], iteration_bounds = array<i64: 80>, scalar_prefetch = 0 : i64, scratch_operands = 0 : i64, tpu.core_type = #tpu.core_type<tc>, window_params = [{transform_indices = @transform_0, window_bounds = array<i64: 4000, 16>}, {pipeline_mode = #tpu.pipeline_mode<synchronous>, transform_indices = @transform_1, window_bounds = array<i64: 16, 128>}, {pipeline_mode = #tpu.pipeline_mode<synchronous>, transform_indices = @transform_2, window_bounds = array<i64: 128>}, {transform_indices = @transform_3, window_bounds = array<i64: 4000, 128>}]} {
    %get3A = arith.constant 0 : index
    %get3A_0 = arith.constant 0 : index
    %get3A_1 = vector.load %arg1[%get3A, %get3A_0] : memref<4000x16xf32, #tpu.memory_space<vmem>>, vector<4000x16xf32>
    %get3A_2 = arith.constant 0 : index
    %get3A_3 = arith.constant 0 : index
    %get3A_4 = vector.load %arg2[%get3A_2, %get3A_3] : memref<16x128xf32, #tpu.memory_space<vmem>>, vector<16x128xf32>
    %dot_general3A = arith.constant dense<0.000000e+00> : vector<4000x128xf32>
    %dot_general3A_5 = tpu.matmul %get3A_1, %get3A_4, %dot_general3A {dimension_numbers = #tpu.dot_dimension_numbers<[1], [0], [0], [1], [0, 0, 1, 1], [], []>, transpose_lhs_hint = false} : vector<4000x16xf32>, vector<16x128xf32>, vector<4000x128xf32> -> vector<4000x128xf32>
    %get3A_6 = arith.constant 0 : index
    %get3A_7 = vector.load %arg3[%get3A_6] : memref<128xf32, #tpu.memory_space<vmem>>, vector<128xf32>
    %broadcast_in_dim3A = vector.shape_cast %get3A_7 : vector<128xf32> to vector<1x128xf32>
    %add3A = vector.broadcast %broadcast_in_dim3A : vector<1x128xf32> to vector<4000x128xf32>
    %add3A_8 = arith.addf %dot_general3A_5, %add3A : vector<4000x128xf32>
    %swap3A = arith.constant 0 : index
    %swap3A_9 = arith.constant 0 : index
    %swap3A_10 = vector.load %arg4[%swap3A, %swap3A_9] : memref<4000x128xf32, #tpu.memory_space<vmem>>, vector<4000x128xf32>
    tpu.vector_store %arg4[%swap3A, %swap3A_9], %add3A_8 {strides = array<i32>} : memref<4000x128xf32, #tpu.memory_space<vmem>>, vector<4000x128xf32>,
    return
  }
  func.func @transform_0(%arg0: i32) -> (i32, i32) {
    %c0_i32 = arith.constant 0 : i32
    %c0_i32_0 = arith.constant 0 : i32
    return %arg0, %c0_i32 : i32, i32
  }
  func.func @transform_1(%arg0: i32) -> (i32, i32) {
    %c0_i32 = arith.constant 0 : i32
    %c0_i32_0 = arith.constant 0 : i32
    %c0_i32_1 = arith.constant 0 : i32
    return %c0_i32, %c0_i32_0 : i32, i32
  }
  func.func @transform_2(%arg0: i32) -> i32 {
    %c0_i32 = arith.constant 0 : i32
    %c0_i32_0 = arith.constant 0 : i32
    return %c0_i32 : i32
  }
  func.func @transform_3(%arg0: i32) -> (i32, i32) {
    %c0_i32 = arith.constant 0 : i32
    %c0_i32_0 = arith.constant 0 : i32
    return %arg0, %c0_i32 : i32, i32
  }
}

module attributes {stable_mosaic.version = 14 : i64} {
  func.func @k(%arg0: i32, %arg1: memref<2000x128xf32, #tpu.memory_space<vmem>>, %arg2: memref<2000x128xf32, #tpu.memory_space<vmem>>, %arg3: memref<2000x128xf32, #tpu.memory_space<vmem>>, %arg4: memref<128x128xf32, #tpu.memory_space<vmem>>, %arg5: memref<128xf32, #tpu.memory_space<vmem>>, %arg6: memref<128x128xf32, #tpu.memory_space<vmem>>, %arg7: memref<128xf32, #tpu.memory_space<vmem>>, %arg8: memref<2000x128xf32, #tpu.memory_space<vmem>>) attributes {dimension_semantics = [#tpu.dimension_semantics<arbitrary>], iteration_bounds = array<i64: 5>, scalar_prefetch = 0 : i64, scratch_operands = 0 : i64, tpu.core_type = #tpu.core_type<tc>, window_params = [{transform_indices = @transform_0, window_bounds = array<i64: 2000, 128>}, {transform_indices = @transform_1, window_bounds = array<i64: 2000, 128>}, {transform_indices = @transform_2, window_bounds = array<i64: 2000, 128>}, {pipeline_mode = #tpu.pipeline_mode<synchronous>, transform_indices = @transform_3, window_bounds = array<i64: 128, 128>}, {pipeline_mode = #tpu.pipeline_mode<synchronous>, transform_indices = @transform_4, window_bounds = array<i64: 128>}, {pipeline_mode = #tpu.pipeline_mode<synchronous>, transform_indices = @transform_5, window_bounds = array<i64: 128, 128>}, {pipeline_mode = #tpu.pipeline_mode<synchronous>, transform_indices = @transform_6, window_bounds = array<i64: 128>}, {transform_indices = @transform_7, window_bounds = array<i64: 2000, 128>}]} {
    %get3A = arith.constant 0 : index
    %get3A_0 = arith.constant 0 : index
    %get3A_1 = vector.load %arg1[%get3A, %get3A_0] : memref<2000x128xf32, #tpu.memory_space<vmem>>, vector<2000x128xf32>
    %get3A_2 = arith.constant 0 : index
    %get3A_3 = arith.constant 0 : index
    %get3A_4 = vector.load %arg2[%get3A_2, %get3A_3] : memref<2000x128xf32, #tpu.memory_space<vmem>>, vector<2000x128xf32>
    %add3A = arith.addf %get3A_1, %get3A_4 : vector<2000x128xf32>
    %get3A_5 = arith.constant 0 : index
    %get3A_6 = arith.constant 0 : index
    %get3A_7 = vector.load %arg3[%get3A_5, %get3A_6] : memref<2000x128xf32, #tpu.memory_space<vmem>>, vector<2000x128xf32>
    %add3A_8 = arith.addf %add3A, %get3A_7 : vector<2000x128xf32>
    %get3A_9 = arith.constant 0 : index
    %get3A_10 = arith.constant 0 : index
    %get3A_11 = vector.load %arg4[%get3A_9, %get3A_10] : memref<128x128xf32, #tpu.memory_space<vmem>>, vector<128x128xf32>
    %dot_general3A = arith.constant dense<0.000000e+00> : vector<2000x128xf32>
    %dot_general3A_12 = tpu.matmul %add3A_8, %get3A_11, %dot_general3A {dimension_numbers = #tpu.dot_dimension_numbers<[1], [0], [0], [1], [0, 0, 1, 1], [], []>, transpose_lhs_hint = false} : vector<2000x128xf32>, vector<128x128xf32>, vector<2000x128xf32> -> vector<2000x128xf32>
    %get3A_13 = arith.constant 0 : index
    %get3A_14 = vector.load %arg5[%get3A_13] : memref<128xf32, #tpu.memory_space<vmem>>, vector<128xf32>
    %broadcast_in_dim3A = vector.shape_cast %get3A_14 : vector<128xf32> to vector<1x128xf32>
    %add3A_15 = vector.broadcast %broadcast_in_dim3A : vector<1x128xf32> to vector<2000x128xf32>
    %add3A_16 = arith.addf %dot_general3A_12, %add3A_15 : vector<2000x128xf32>
    %max3A = arith.constant 0.000000e+00 : f32
    %max3A_17 = vector.broadcast %max3A : f32 to vector<2000x128xf32>
    %max3A_18 = arith.maximumf %add3A_16, %max3A_17 : vector<2000x128xf32>
    %get3A_19 = arith.constant 0 : index
    %get3A_20 = arith.constant 0 : index
    %get3A_21 = vector.load %arg6[%get3A_19, %get3A_20] : memref<128x128xf32, #tpu.memory_space<vmem>>, vector<128x128xf32>
    %dot_general3A_22 = arith.constant dense<0.000000e+00> : vector<2000x128xf32>
    %dot_general3A_23 = tpu.matmul %max3A_18, %get3A_21, %dot_general3A_22 {dimension_numbers = #tpu.dot_dimension_numbers<[1], [0], [0], [1], [0, 0, 1, 1], [], []>, transpose_lhs_hint = false} : vector<2000x128xf32>, vector<128x128xf32>, vector<2000x128xf32> -> vector<2000x128xf32>
    %get3A_24 = arith.constant 0 : index
    %get3A_25 = vector.load %arg7[%get3A_24] : memref<128xf32, #tpu.memory_space<vmem>>, vector<128xf32>
    %broadcast_in_dim3A_26 = vector.shape_cast %get3A_25 : vector<128xf32> to vector<1x128xf32>
    %add3A_27 = vector.broadcast %broadcast_in_dim3A_26 : vector<1x128xf32> to vector<2000x128xf32>
    %add3A_28 = arith.addf %dot_general3A_23, %add3A_27 : vector<2000x128xf32>
    %max3A_29 = arith.constant 0.000000e+00 : f32
    %max3A_30 = vector.broadcast %max3A_29 : f32 to vector<2000x128xf32>
    %max3A_31 = arith.maximumf %add3A_28, %max3A_30 : vector<2000x128xf32>
    %swap3A = arith.constant 0 : index
    %swap3A_32 = arith.constant 0 : index
    %swap3A_33 = vector.load %arg8[%swap3A, %swap3A_32] : memref<2000x128xf32, #tpu.memory_space<vmem>>, vector<2000x128xf32>
    tpu.vector_store %arg8[%swap3A, %swap3A_32], %max3A_31 {strides = array<i32>} : memref<2000x128xf32, #tpu.memory_space<vmem>>, vector<2000x128xf32>,
    return
  }
  func.func @transform_0(%arg0: i32) -> (i32, i32) {
    %c0_i32 = arith.constant 0 : i32
    %c0_i32_0 = arith.constant 0 : i32
    return %arg0, %c0_i32 : i32, i32
  }
  func.func @transform_1(%arg0: i32) -> (i32, i32) {
    %c0_i32 = arith.constant 0 : i32
    %c0_i32_0 = arith.constant 0 : i32
    return %arg0, %c0_i32 : i32, i32
  }
  func.func @transform_2(%arg0: i32) -> (i32, i32) {
    %c0_i32 = arith.constant 0 : i32
    %c0_i32_0 = arith.constant 0 : i32
    return %arg0, %c0_i32 : i32, i32
  }
  func.func @transform_3(%arg0: i32) -> (i32, i32) {
    %c0_i32 = arith.constant 0 : i32
    %c0_i32_0 = arith.constant 0 : i32
    %c0_i32_1 = arith.constant 0 : i32
    return %c0_i32, %c0_i32_0 : i32, i32
  }
  func.func @transform_4(%arg0: i32) -> i32 {
    %c0_i32 = arith.constant 0 : i32
    %c0_i32_0 = arith.constant 0 : i32
    return %c0_i32 : i32
  }
  func.func @transform_5(%arg0: i32) -> (i32, i32) {
    %c0_i32 = arith.constant 0 : i32
    %c0_i32_0 = arith.constant 0 : i32
    %c0_i32_1 = arith.constant 0 : i32
    return %c0_i32, %c0_i32_0 : i32, i32
  }
  func.func @transform_6(%arg0: i32) -> i32 {
    %c0_i32 = arith.constant 0 : i32
    %c0_i32_0 = arith.constant 0 : i32
    return %c0_i32 : i32
  }
  func.func @transform_7(%arg0: i32) -> (i32, i32) {
    %c0_i32 = arith.constant 0 : i32
    %c0_i32_0 = arith.constant 0 : i32
    return %arg0, %c0_i32 : i32, i32
  }
}

module attributes {stable_mosaic.version = 14 : i64} {
  func.func @k(%arg0: i32, %arg1: memref<2000x128xf32, #tpu.memory_space<vmem>>, %arg2: memref<2000x128xf32, #tpu.memory_space<vmem>>, %arg3: memref<2000x128xf32, #tpu.memory_space<vmem>>, %arg4: memref<128x128xf32, #tpu.memory_space<vmem>>, %arg5: memref<128xf32, #tpu.memory_space<vmem>>, %arg6: memref<128x128xf32, #tpu.memory_space<vmem>>, %arg7: memref<128xf32, #tpu.memory_space<vmem>>, %arg8: memref<2000x128xf32, #tpu.memory_space<vmem>>) attributes {dimension_semantics = [#tpu.dimension_semantics<arbitrary>], iteration_bounds = array<i64: 5>, scalar_prefetch = 0 : i64, scratch_operands = 0 : i64, tpu.core_type = #tpu.core_type<tc>, window_params = [{transform_indices = @transform_0, window_bounds = array<i64: 2000, 128>}, {transform_indices = @transform_1, window_bounds = array<i64: 2000, 128>}, {transform_indices = @transform_2, window_bounds = array<i64: 2000, 128>}, {pipeline_mode = #tpu.pipeline_mode<synchronous>, transform_indices = @transform_3, window_bounds = array<i64: 128, 128>}, {pipeline_mode = #tpu.pipeline_mode<synchronous>, transform_indices = @transform_4, window_bounds = array<i64: 128>}, {pipeline_mode = #tpu.pipeline_mode<synchronous>, transform_indices = @transform_5, window_bounds = array<i64: 128, 128>}, {pipeline_mode = #tpu.pipeline_mode<synchronous>, transform_indices = @transform_6, window_bounds = array<i64: 128>}, {transform_indices = @transform_7, window_bounds = array<i64: 2000, 128>}]} {
    %get3A = arith.constant 0 : index
    %get3A_0 = arith.constant 0 : index
    %get3A_1 = vector.load %arg1[%get3A, %get3A_0] : memref<2000x128xf32, #tpu.memory_space<vmem>>, vector<2000x128xf32>
    %get3A_2 = arith.constant 0 : index
    %get3A_3 = arith.constant 0 : index
    %get3A_4 = vector.load %arg2[%get3A_2, %get3A_3] : memref<2000x128xf32, #tpu.memory_space<vmem>>, vector<2000x128xf32>
    %add3A = arith.addf %get3A_1, %get3A_4 : vector<2000x128xf32>
    %get3A_5 = arith.constant 0 : index
    %get3A_6 = arith.constant 0 : index
    %get3A_7 = vector.load %arg3[%get3A_5, %get3A_6] : memref<2000x128xf32, #tpu.memory_space<vmem>>, vector<2000x128xf32>
    %add3A_8 = arith.addf %add3A, %get3A_7 : vector<2000x128xf32>
    %get3A_9 = arith.constant 0 : index
    %get3A_10 = arith.constant 0 : index
    %get3A_11 = vector.load %arg4[%get3A_9, %get3A_10] : memref<128x128xf32, #tpu.memory_space<vmem>>, vector<128x128xf32>
    %dot_general3A = arith.constant dense<0.000000e+00> : vector<2000x128xf32>
    %dot_general3A_12 = tpu.matmul %add3A_8, %get3A_11, %dot_general3A {dimension_numbers = #tpu.dot_dimension_numbers<[1], [0], [0], [1], [0, 0, 1, 1], [], []>, transpose_lhs_hint = false} : vector<2000x128xf32>, vector<128x128xf32>, vector<2000x128xf32> -> vector<2000x128xf32>
    %get3A_13 = arith.constant 0 : index
    %get3A_14 = vector.load %arg5[%get3A_13] : memref<128xf32, #tpu.memory_space<vmem>>, vector<128xf32>
    %broadcast_in_dim3A = vector.shape_cast %get3A_14 : vector<128xf32> to vector<1x128xf32>
    %add3A_15 = vector.broadcast %broadcast_in_dim3A : vector<1x128xf32> to vector<2000x128xf32>
    %add3A_16 = arith.addf %dot_general3A_12, %add3A_15 : vector<2000x128xf32>
    %max3A = arith.constant 0.000000e+00 : f32
    %max3A_17 = vector.broadcast %max3A : f32 to vector<2000x128xf32>
    %max3A_18 = arith.maximumf %add3A_16, %max3A_17 : vector<2000x128xf32>
    %get3A_19 = arith.constant 0 : index
    %get3A_20 = arith.constant 0 : index
    %get3A_21 = vector.load %arg6[%get3A_19, %get3A_20] : memref<128x128xf32, #tpu.memory_space<vmem>>, vector<128x128xf32>
    %dot_general3A_22 = arith.constant dense<0.000000e+00> : vector<2000x128xf32>
    %dot_general3A_23 = tpu.matmul %max3A_18, %get3A_21, %dot_general3A_22 {dimension_numbers = #tpu.dot_dimension_numbers<[1], [0], [0], [1], [0, 0, 1, 1], [], []>, transpose_lhs_hint = false} : vector<2000x128xf32>, vector<128x128xf32>, vector<2000x128xf32> -> vector<2000x128xf32>
    %get3A_24 = arith.constant 0 : index
    %get3A_25 = vector.load %arg7[%get3A_24] : memref<128xf32, #tpu.memory_space<vmem>>, vector<128xf32>
    %broadcast_in_dim3A_26 = vector.shape_cast %get3A_25 : vector<128xf32> to vector<1x128xf32>
    %add3A_27 = vector.broadcast %broadcast_in_dim3A_26 : vector<1x128xf32> to vector<2000x128xf32>
    %add3A_28 = arith.addf %dot_general3A_23, %add3A_27 : vector<2000x128xf32>
    %max3A_29 = arith.constant 0.000000e+00 : f32
    %max3A_30 = vector.broadcast %max3A_29 : f32 to vector<2000x128xf32>
    %max3A_31 = arith.maximumf %add3A_28, %max3A_30 : vector<2000x128xf32>
    %swap3A = arith.constant 0 : index
    %swap3A_32 = arith.constant 0 : index
    %swap3A_33 = vector.load %arg8[%swap3A, %swap3A_32] : memref<2000x128xf32, #tpu.memory_space<vmem>>, vector<2000x128xf32>
    tpu.vector_store %arg8[%swap3A, %swap3A_32], %max3A_31 {strides = array<i32>} : memref<2000x128xf32, #tpu.memory_space<vmem>>, vector<2000x128xf32>,
    return
  }
  func.func @transform_0(%arg0: i32) -> (i32, i32) {
    %c0_i32 = arith.constant 0 : i32
    %c0_i32_0 = arith.constant 0 : i32
    return %arg0, %c0_i32 : i32, i32
  }
  func.func @transform_1(%arg0: i32) -> (i32, i32) {
    %c0_i32 = arith.constant 0 : i32
    %c0_i32_0 = arith.constant 0 : i32
    return %arg0, %c0_i32 : i32, i32
  }
  func.func @transform_2(%arg0: i32) -> (i32, i32) {
    %c0_i32 = arith.constant 0 : i32
    %c0_i32_0 = arith.constant 0 : i32
    return %arg0, %c0_i32 : i32, i32
  }
  func.func @transform_3(%arg0: i32) -> (i32, i32) {
    %c0_i32 = arith.constant 0 : i32
    %c0_i32_0 = arith.constant 0 : i32
    %c0_i32_1 = arith.constant 0 : i32
    return %c0_i32, %c0_i32_0 : i32, i32
  }
  func.func @transform_4(%arg0: i32) -> i32 {
    %c0_i32 = arith.constant 0 : i32
    %c0_i32_0 = arith.constant 0 : i32
    return %c0_i32 : i32
  }
  func.func @transform_5(%arg0: i32) -> (i32, i32) {
    %c0_i32 = arith.constant 0 : i32
    %c0_i32_0 = arith.constant 0 : i32
    %c0_i32_1 = arith.constant 0 : i32
    return %c0_i32, %c0_i32_0 : i32, i32
  }
  func.func @transform_6(%arg0: i32) -> i32 {
    %c0_i32 = arith.constant 0 : i32
    %c0_i32_0 = arith.constant 0 : i32
    return %c0_i32 : i32
  }
  func.func @transform_7(%arg0: i32) -> (i32, i32) {
    %c0_i32 = arith.constant 0 : i32
    %c0_i32_0 = arith.constant 0 : i32
    return %arg0, %c0_i32 : i32, i32
  }
}

</mosaic_0001>

<sc_bundles>
// kernel: kernel.11.cloned.1.call-start
scs
__scs_entry_jumppad:
0x0: {  	(pc) =	sbr.rel $0x88, $3  }
0x1: {  	(tag) =	ssettag $0x0;
	lr =	simm.s32 $0x1  }
0x2: {  	[smem:$0x3F92] =	sst lr;
	_ =	strace $0xD0000000  }
0x3: {  	_ = 	snop  }
0x4: {  	_ = 	snop  }
0x5: {  	_ = 	snop  }
0x6: {  	_ = 	snop  }
0x7: {  	_ = 	snop  }
__scs_overlays_trampoline_lowered:
0x8: {  	[smem:$0x3FA1] =	sst s0  }
0x9: {  	[smem:$0x3FA2] =	sst s1  }
0xa: {  	[smem:$0x3FA3] =	sst s2  }
0xb: {  	[smem:$0x3FA4] =	sst s3  }
0xc: {  	[smem:$0x3FA5] =	sst s4  }
0xd: {  	[smem:$0x3FA6] =	sst s5  }
0xe: {  	[smem:$0x3FA7] =	sst s6  }
0xf: {  	[smem:$0x3FA8] =	sst s7  }
0x10: {  	[smem:$0x3FA9] =	sst s8  }
0x11: {  	[smem:$0x3FAA] =	sst s9;
	s0 =	simm.s32 @!p0 $0x0  }
0x12: {  	s1 =	sld [smem:$0x3F90];
	s0 =	simm.s32 @p0 $0x1  }
0x13: {  	[smem:$0x3FAB] =	sst s0;
	s0 =	simm.s32 @!p1 $0x0  }
0x14: {  	s2 =	sld [smem:$0x3F8F];
	s0 =	simm.s32 @p1 $0x1  }
0x15: {  	[smem:$0x3FAC] =	sst s0;
	s0 =	simm.s32 @!p2 $0x0  }
0x16: {  	s3 =	sld [smem:$0x3FDB];
	s0 =	simm.s32 @p2 $0x1  }
0x17: {  	s4 =	simm.s32 $0x1BF5;
	[smem:$0x3FAE] =	sst s0  }
0x18: {  	s0 =	sld [smem:$0x3F91];
	_ =	swait.ge [sflag:s4], $0x0  }
0x19: {  	s7 =	sld [smem:$0x3F92]  }
0x1a: {  	s8 =	sadd.s32 $0xFFFFE003, lr  }
0x1b: {  	s9 =	sadd.s32 $0xFFFFFEF7, lr;
	s5 =	simm.s32 $0xFFFFFFFF;
	p2 =	slt.u32 s8, $0xFFFFF086  }
0x1c: {  	p1 =	slt.u32 s9, $0xF7A;
	s5 =	simm.s32 @!p2 $0x0  }
0x1d: {  	s5 =	simm.s32 @p1 $0x1;
	p0 =	seq.s32 s7, s2  }
0x1e: {  	s7 =	smul.u32 @!p0 $0xF7A, s2;
	p2 =	seq.s32 @!p0 s5, $0x0  }
0x1f: {  	s9 =	smul.u32 $0xF7A, s1;
	s8 =	simm.s32 @!p0 $0x1BF5;
	p2 =	por !p2, p0  }
0x20: {  	[sflag:s8] =	ssyncset.s32 @!p0 $0xFFFFF086;
	s6 =	sadd.s32 @!p0 s3, s7;
	s7 =	simm.s32 @!p0 $0x108  }
0x21: {  	s3 =	sadd.s32 s3, s9;
	s6 =	sadd.s32 @!p0 $0x88, s6;
	s7 =	simm.s32 @p2 $0x1082  }
0x22: {  	[simem:s7], [sflag:s8] =	dma.local @!p0 [hbm:s6], $0xF7A  }
0x23: {  	s9 =	sor.u32 $0xD0000000, s2;
	s6 =	simm.s32 $0x108;
	_ =	swait.ge @!p0 [sflag:s8], $0x0  }
0x24: {  	s3 =	sadd.s32 $0x88, s3;
	s6 =	simm.s32 @!p1 $0x1082;
	[sflag:s4] =	ssyncset.s32 $0xFFFFF086  }
0x25: {  	[simem:s6], [sflag:s4] =	dma.local [hbm:s3], $0xF7A  }
0x26: {  	[smem:$0x3F92] =	sst s1;
	(tag) =	ssettag s2;
	_ =	strace s9  }
0x27: {  	s1 =	sld [smem:$0x3FA2]  }
0x28: {  	s2 =	sld [smem:$0x3FA3]  }
0x29: {  	s4 =	sld [smem:$0x3FA5]  }
0x2a: {  	p0 =	seq.s32 s5, $0x0;
	s5 =	sld [smem:$0x3FA6]  }
0x2b: {  	s6 =	sld [smem:$0x3FA7]  }
0x2c: {  	s7 =	sld [smem:$0x3FA8]  }
0x2d: {  	s3 =	simm.s32 $0x108;
	s8 =	sld [smem:$0x3FA9]  }
0x2e: {  	s3 =	simm.s32 @!p0 $0x1082;
	s9 =	sld [smem:$0x3FAA]  }
0x2f: {  	lr =	sadd.s32 s0, s3;
	s0 =	sld [smem:$0x3FA1]  }
0x30: {  	s3 =	sld [smem:$0x3FA4]  }
0x31: {  	[smem:$0x3FAD] =	sst s10  }
0x32: {  	s10 =	sld [smem:$0x3FAB];
	_ =	sdelay $0x3  }
0x33: {  	p0 =	seq.s32 s10, $0x1;
	s10 =	sld [smem:$0x3FAD];
	_ =	sdelay $0x3  }
0x34: {  	[smem:$0x3FAD] =	sst s10  }
0x35: {  	s10 =	sld [smem:$0x3FAC];
	_ =	sdelay $0x3  }
0x36: {  	p1 =	seq.s32 s10, $0x1;
	s10 =	sld [smem:$0x3FAD];
	_ =	sdelay $0x3  }
0x37: {  	[smem:$0x3FAD] =	sst s10  }
0x38: {  	s10 =	sld [smem:$0x3FAE]  }
0x39: {  	_ = 	snop;
	(pc) =	sbr.ind lr, $3  }
0x3a: {  	_ = 	snop  }
0x3b: {  	_ = 	snop  }
0x3c: {  	p2 =	seq.s32 s10, $0x1;
	s10 =	sld [smem:$0x3FAD]  }
0x3d: {  	_ =	shalt  }
0x3e: {  	_ =	shalt  }
0x3f: {  	_ =	shalt  }
0x40: {  	_ =	shalt  }
0x41: {  	_ =	shalt  }
0x42: {  	_ =	shalt  }
0x43: {  	_ =	shalt  }
0x44: {  	_ =	shalt  }
0x45: {  	_ =	shalt  }
0x46: {  	_ =	shalt  }
0x47: {  	_ =	shalt  }
0x48: {  	_ =	shalt  }
0x49: {  	_ =	shalt  }
0x4a: {  	_ =	shalt  }
0x4b: {  	_ =	shalt  }
0x4c: {  	_ =	shalt  }
0x4d: {  	_ =	shalt  }
0x4e: {  	_ =	shalt  }
0x4f: {  	_ =	shalt  }
0x50: {  	_ =	shalt  }
0x51: {  	_ =	shalt  }
0x52: {  	_ =	shalt  }
0x53: {  	_ =	shalt  }
0x54: {  	_ =	shalt  }
0x55: {  	_ =	shalt  }
0x56: {  	_ =	shalt  }
0x57: {  	_ =	shalt  }
0x58: {  	_ =	shalt  }
0x59: {  	_ =	shalt  }
0x5a: {  	_ =	shalt  }
0x5b: {  	_ =	shalt  }
0x5c: {  	_ =	shalt  }
0x5d: {  	_ =	shalt  }
0x5e: {  	_ =	shalt  }
0x5f: {  	_ =	shalt  }
0x60: {  	_ =	shalt  }
0x61: {  	_ =	shalt  }
0x62: {  	_ =	shalt  }
0x63: {  	_ =	shalt  }
0x64: {  	_ =	shalt  }
0x65: {  	_ =	shalt  }
0x66: {  	_ =	shalt  }
0x67: {  	_ =	shalt  }
0x68: {  	_ =	shalt  }
0x69: {  	_ =	shalt  }
0x6a: {  	_ =	shalt  }
0x6b: {  	_ =	shalt  }
0x6c: {  	_ =	shalt  }
0x6d: {  	_ =	shalt  }
0x6e: {  	_ =	shalt  }
0x6f: {  	_ =	shalt  }
0x70: {  	_ =	shalt  }
0x71: {  	_ =	shalt  }
0x72: {  	_ =	shalt  }
0x73: {  	_ =	shalt  }
0x74: {  	_ =	shalt  }
0x75: {  	_ =	shalt  }
0x76: {  	_ =	shalt  }
0x77: {  	_ =	shalt  }
0x78: {  	_ =	shalt  }
0x79: {  	_ =	shalt  }
0x7a: {  	_ =	shalt  }
0x7b: {  	_ =	shalt  }
0x7c: {  	_ =	shalt  }
0x7d: {  	_ =	shalt  }
0x7e: {  	_ =	shalt  }
0x7f: {  	_ =	shalt  }
0x80: {  	_ =	shalt  }
0x81: {  	_ =	shalt  }
0x82: {  	_ =	shalt  }
0x83: {  	_ =	shalt  }
0x84: {  	_ =	shalt  }
0x85: {  	_ =	shalt  }
0x86: {  	_ =	shalt  }
0x87: {  	_ =	shalt  }
.Lfunc_end0:
.L_simem_size_0:
called_computation.1_lowered:
.L_overlay_start_0:
0x88: {  	s2 =	sld [smem:$0x3FD9]  }
0x89: {  	s3 =	sld [smem:$0x3FFE];
	_ =	sdelay $0x1  }
0x8a: {  	s1 =	srdreg.scid  }
0x8b: {  	s0 =	sand.u32 $0x1, s1  }
0x8c: {  	s17 =	sshll.u32 s0, $0xA;
	s2 =	sadd.s32 s3, s2  }
0x8d: {  	s2 =	sadd.s32 s2, s17  }
0x8e: {  	[smem:$0x3FB9] =	sst s2  }
0x8f: {  	_ = 	snop  }
0x90: {  	s2 =	sld [smem:$0x3FD0];
	(tm) =	ssettm $0x1  }
0x91: {  	s18 =	sld [smem:$0x3FFB];
	_ =	sdelay $0x3  }
0x92: {  	_ =	strace s18  }
0x93: {  	s3 =	sld [smem:$0x3FFC];
	_ =	sdelay $0x3  }
0x94: {  	_ =	strace s3  }
0x95: {  	s3 =	sld [smem:$0x3FFD];
	_ =	sdelay $0x3  }
0x96: {  	_ =	strace s3  }
0x97: {  	_ =	strace $0x8FFFFFFF  }
0x98: {  	s19 =	sld [smem:$0x3FDB];
	_ =	sdelay $0x1  }
0x99: {  	s4 =	simm.s32 $_scs_section_size  }
0x9a: {  	s5 =	simm.s32 $_size__tile_overlayer_lowered;
	s6 =	simm.s32 $_tile_overlayer_lowered  }
0x9b: {  	s22 =	simm.s32 $0x1BFF;
	s21 =	sshll.u32 s6, $0x1;
	s3 =	sadd.s32 s4, s19  }
0x9c: {  	s7 =	simm.s32 $0x0;
	s20 =	sshll.u32 s5, $0x1;
	s5 =	sadd.s32 s21, s3  }
0x9d: {  	[timem:s7], [sflag:s22] =	dma.local [hbm:s5], s20  }
0x9e: {  	_ =	swait.ge [sflag:s22], s20  }
0x9f: {  	s4 =	ssub.s32 $0x0, s20;
	[sflag:s22] =	ssyncset.done $0x0  }
0xa0: {  	[sflag:s22] =	ssyncadd.s32 s4;
	_ =	sdelay $0x1  }
0xa1: {  	s23 =	simm.s32 $0x1B8B  }
0xa2: {  	_ =	swait.ge [sflag:s23], $0x1  }
0xa3: {  	[sflag:s23] =	ssyncset.done $0x0  }
0xa4: {  	s25 =	simm.s32 $0x1B8E;
	s24 =	sld [smem:$0x3FFE];
	[sflag:s23] =	ssyncadd.s32 $0xFFFFFFFF  }
0xa5: {  	s26 =	simm.s32 $execute0_lowered;
	[smem:$0x3FD2] =	sst s25  }
0xa6: {  	s5 =	sshll.u32 s26, $0x1;
	_ =	strace $0x80000049;
	[dreg:$0x1] =	wrdreg $0xFFFFFFFF  }
0xa7: {  	s28 =	simm.s32 $_size_execute0_lowered;
	s3 =	sadd.s32 s3, s5;
	[dreg:$0x0] =	wrdreg $0x0  }
0xa8: {  	s5 =	sshll.u32 s28, $0x1;
	[dreg:$0x2] =	wrdreg s3  }
0xa9: {  	[dreg:$0x3] =	wrdreg s5  }
0xaa: {  	[dreg:$0x4] =	wrdreg $0xC0  }
0xab: {  	_ =	task [dreg:s7], $0x5FFFF  }
0xac: {  	[dreg:$0x1] =	wrdreg $0xFFFFFFFF  }
0xad: {  	[dreg:$0x0] =	wrdreg $0x60  }
0xae: {  	[dreg:$0x2] =	wrdreg s24  }
0xaf: {  	[dreg:$0x3] =	wrdreg s2  }
0xb0: {  	[dreg:$0x4] =	wrdreg $0x0  }
0xb1: {  	[dreg:$0x5] =	wrdreg $0x9  }
0xb2: {  	_ =	task.clear_ibuf [dreg:s7], $0x6FFFF;
	_ =	strace $0x90000049  }
0xb3: {  	s29 =	simm.s32 $0x9;
	_ =	strace $0x8000004B  }
0xb4: {  	_ =	swait.ge [sflag:s29], $0x1  }
0xb5: {  	[sflag:s29] =	ssyncadd.s32 $0xFFFFFFFF  }
0xb6: {  	_ =	strace $0x9000004B  }
0xb7: {  	_ =	sfence  }
0xb8: {  	s30 =	sld [smem:$0x0];
	_ =	sdelay $0x2  }
0xb9: {  	s31 =	sshll.u32 s1, $0xD;
	s1 =	sshrl.u32 s1, $0x2  }
0xba: {  	s3 =	sand.u32 $0x4000, s31;
	s1 =	sadd.s32 s1, s30  }
0xbb: {  	s0 =	sor.u32 s3, s0;
	s1 =	sshll.u32 s1, $0x11  }
0xbc: {  	s0 =	sor.u32 s1, s0  }
0xbd: {  	s0 =	sadd.s32 $0x8F2B, s0  }
0xbe: {  	[sflag:s0] =	ssyncadd.remote.s32 $0x1  }
0xbf: {  	_ =	sfence.sel $0xFFFF  }
0xc0: {  	[dreg:$0x0] =	wrdreg $0xFFFFFFFF;
	(pc) =	sbr.abs _section_cstart, $3  }
0xc1: {  	[dreg:$0x1] =	wrdreg $0xFFFFFFFF  }
0xc2: {  	_ =	task.clear_ibuf [dreg:s7], $0x2FFFF;
	_ =	strace $0x9FFFFFFF  }
0xc3: {  	(tm) =	ssettm $0x7FFFFFFF  }
tec
execute0_lowered:
.L_overlay_start_1:
0x0: {  	(tag) =	ssettag $0x1  }
0x1: {  	s8 =	rddreg [dreg:$0x0]  }
0x2: {  	s10 =	rddreg [dreg:$0x1]  }
0x3: {  	s1 =	rddreg [dreg:$0x2]  }
0x4: {  	s0 =	rddreg [dreg:$0x3];
	s2 =	simm.s32 $0x0  }
0x5: {  	s7 =	srdreg.scid;
	s3 =	stileid.u32;
	s20 =	simm.s32 $0x13980  }
0x6: {  	s21 =	simm.s32 $0x50;
	s22 =	simm.s32 $0x16180;
	s23 =	simm.s32 $0x1  }
0x7: {  	s29 =	simm.s32 $0x0;
	[smem:$0x7FF] =	sst s2;
	s4 =	sadd.s32 $0x15E00, s8  }
0x8: {  	s5 =	sadd.s32 $0xC000, s8;
	s6 =	sadd.s32 $0x2200, s8;
	s9 =	sand.u32 $0x1, s7  }
0x9: {  	s7 =	sadd.s32 $0xA28000, s8;
	s12 =	smul.u32 $0x4E000, s3;
	s14 =	sshll.u32 s3, $0x1  }
0xa: {  	s15 =	smul.u32 $0x13800, s3;
	s16 =	sadd.s32 $0x3D000, s8;
	s30 =	sshll.u32 s3, $0x6  }
0xb: {  	s19 =	sadd.s32 $0x138000, s1;
	p0 =	sne.s32 s3, $0xF;
	_ =	strace $0x8000004A  }
0xc: {  	s11 =	ssub.s32 $0x2, s9;
	s24 =	sor.u32 s9, s14;
	s28 =	smul.u32 $0x138800, s9  }
0xd: {  	s9 =	sor.u32 $0x1C02, s30;
	s13 =	sshrl.u32 s11, $0x1;
	s25 =	sshrl.u32 s12, $0x2  }
0xe: {  	s26 =	sshrl.u32 s15, $0x3;
	s17 =	ssub.s32 s11, s13;
	s18 =	sadd.s32 s25, s1  }
0xf: {  	s8 =	sadd.s32 s10, s26;
	s31 =	sadd.s32 s15, s28;
	s10 =	sadd.s32 $0x27000, s10  }
0x10: {  	s13 =	sshrl.u32 s28, $0x3;
	s11 =	smul.u32 $0x2710, s24;
	s12 =	sshrl.u32 s31, $0x3  }
0x11: {  	s13 =	sadd.s32 s16, s13;
	s14 =	smax.u32 s17, $0x1;
	s15 =	sshrl.u32 s18, $0x3  }
0x12: {  	s17 =	sshrl.u32 @!p0 s19, $0x3;
	s18 =	simm.s32 $0x13880;
	s19 =	simm.s32 $0x13900  }
0x13: {  	s12 =	sadd.s32 s16, s12;
	s13 =	sadd.s32 $0x27000, s13;
	s16 =	simm.s32 $0x2  }
.LBB2_1:
0x14: {  	[spmem:s15], [sflag:s9] =	dma.local [hbm:s8], $0x2700  }
0x15: {  	_ =	swait.ge [sflag:s16], $0x2700  }
0x16: {  	[sflag:s16] =	ssyncset.done $0x0  }
0x17: {  	s24 =	simm.s32 @!p0 $0x2;
	[sflag:s16] =	ssyncadd.s32 $0xFFFFD900  }
0x18: {  	[spmem:s17], [sflag:s9] =	dma.local @!p0 [hbm:s10], $0x100  }
0x19: {  	_ =	swait.ge @!p0 [sflag:s24], $0x100  }
0x1a: {  	[sflag:s24] =	ssyncset.done @!p0 $0x0  }
0x1b: {  	[sflag:s24] =	ssyncadd.s32 @!p0 $0xFFFFFF00  }
0x1c: {  	s24 =	simm.s32 $0x0;
	[bflag:$0x0] =	sbarrier.arrive $0xFFFF  }
.LBB2_2:
0x1d: {  	s25 =	smul.u32 $0x50, s24;
	_ =	sdelay $0x1  }
0x1e: {  	s25 =	sadd.s32 s11, s25  }
0x1f: {  	s26 =	sshrl.u32 s25, $0x3  }
0x20: {  	s28 =	sadd.s32 s5, s26  }
0x21: {  	[tilespmem:s18], [sflag:$0x2] =	stream.linear.gather [hbm4b:s28+s29], $0x50, $0x38;
	[tilespmem:$0x18980] =	vst v63  }
0x22: {  	_ =	swait.ge [sflag:s16], $0x50  }
0x23: {  	[sflag:s16] =	ssyncset.done $0x0  }
0x24: {  	s26 =	sadd.s32 s6, s26;
	[sflag:s16] =	ssyncadd.s32 $0xFFFFFFB0  }
0x25: {  	[tilespmem:s19], [sflag:$0x2] =	stream.linear.gather [hbm4b:s26+s29], $0x50, $0x38;
	[tilespmem:$0x18980] =	vst v63  }
0x26: {  	_ =	swait.ge [sflag:s16], $0x50  }
0x27: {  	s25 =	sshll.u32 s25, $0x4;
	[sflag:s16] =	ssyncset.done $0x0  }
0x28: {  	s25 =	sadd.s32 s7, s25;
	[sflag:s16] =	ssyncadd.s32 $0xFFFFFFB0  }
0x29: {  	[tilespmem:s20], [sflag:$0x2] =	stream.linear.gather [hbm4b:s25+s29], $0x2800, $0x38;
	[tilespmem:$0x18980] =	vst v63  }
0x2a: {  	_ =	swait.ge [sflag:s16], $0x2800  }
0x2b: {  	[sflag:s16] =	ssyncset.done $0x0  }
0x2c: {  	[sflag:s16] =	ssyncadd.s32 $0xFFFFD800  }
0x2d: {  	[tilespmem:s22], [sflag:$0x1] =	stream.indirect.gather [hbm4b:s4+s21], $0x80, s18, s21, $0xb8;
	[tilespmem:$0x18980] =	vst v63  }
0x2e: {  	_ =	swait.ge [sflag:s23], $0x2800  }
0x2f: {  	[sflag:s23] =	ssyncset.done $0x0  }
0x30: {  	s25 =	simm.s32 $0x0;
	[sflag:s23] =	ssyncadd.s32 $0xFFFFD800  }
0x31: {  	v6 =	vld [tilespmem:s25+$0x13980]  }
0x32: {  	v11 =	vld [tilespmem:s25+$0x13990]  }
0x33: {  	v5 =	vld [tilespmem:s25+$0x139A0]  }
0x34: {  	v4 =	vld [tilespmem:s25+$0x139B0]  }
0x35: {  	v3 =	vld [tilespmem:s25+$0x139C0]  }
0x36: {  	v2 =	vld [tilespmem:s25+$0x139D0]  }
0x37: {  	v1 =	vld [tilespmem:s25+$0x139E0]  }
0x38: {  	v0 =	vld [tilespmem:s25+$0x139F0]  }
0x39: {  	v12 =	vld [tilespmem:s25+$0x16180]  }
0x3a: {  	v13 =	vld [tilespmem:s25+$0x16190]  }
0x3b: {  	v10 =	vld [tilespmem:s25+$0x161A0]  }
0x3c: {  	v9 =	vld [tilespmem:s25+$0x161B0]  }
0x3d: {  	v8 =	vld [tilespmem:s25+$0x161C0]  }
0x3e: {  	v7 =	vld [tilespmem:s25+$0x161D0];
	v12 =	vadd.f32 v6, v12  }
0x3f: {  	s26 =	simm.s32 $0x200;
	v11 =	vadd.f32 v11, v13;
	v6 =	vld [tilespmem:s25+$0x161E0]  }
.LBB2_3:
0x40: {  	s28 =	sshra.s32 s26, $0x2;
	p1 =	sne.s32 s26, $0x9E00;
	v12 =	vmax.f32 v12, $0.0e+00;
	v5 =	vadd.f32 v5, v10;
	v10 =	vld [tilespmem:s25+$0x161F0]  }
0x41: {  	v13 =	vld [tilespmem:s28+$0x13980];
	[tilespmem:s25+$0x16180] =	vst v12;
	v11 =	vmax.f32 v11, $0.0e+00;
	v4 =	vadd.f32 v4, v9  }
0x42: {  	v14 =	vld [tilespmem:s28+$0x13990];
	[tilespmem:s25+$0x16190] =	vst v11;
	v9 =	vmax.f32 v5, $0.0e+00;
	v3 =	vadd.f32 v3, v8  }
0x43: {  	v5 =	vld [tilespmem:s28+$0x139A0];
	[tilespmem:s25+$0x161A0] =	vst v9;
	v8 =	vmax.f32 v4, $0.0e+00;
	v2 =	vadd.f32 v2, v7  }
0x44: {  	v4 =	vld [tilespmem:s28+$0x139B0];
	[tilespmem:s25+$0x161B0] =	vst v8;
	v7 =	vmax.f32 v3, $0.0e+00;
	v1 =	vadd.f32 v1, v6  }
0x45: {  	v3 =	vld [tilespmem:s28+$0x139C0];
	[tilespmem:s25+$0x161C0] =	vst v7;
	v6 =	vmax.f32 v2, $0.0e+00;
	v0 =	vadd.f32 v0, v10  }
0x46: {  	v2 =	vld [tilespmem:s28+$0x139D0];
	[tilespmem:s25+$0x161D0] =	vst v6;
	v6 =	vmax.f32 v1, $0.0e+00  }
0x47: {  	v1 =	vld [tilespmem:s28+$0x139E0];
	[tilespmem:s25+$0x161E0] =	vst v6;
	v6 =	vmax.f32 v0, $0.0e+00  }
0x48: {  	v0 =	vld [tilespmem:s28+$0x139F0];
	[tilespmem:s25+$0x161F0] =	vst v6;
	s25 =	smov.u32 s28  }
0x49: {  	v6 =	vld [tilespmem:s25+$0x16180]  }
0x4a: {  	v11 =	vld [tilespmem:s25+$0x16190]  }
.Ltmp0:
0x4b: {  	v10 =	vld [tilespmem:s25+$0x161A0];
	(pc) =	sbr.rel @p1 .LBB2_3-.Ltmp0, $4  }
0x4c: {  	v9 =	vld [tilespmem:s25+$0x161B0]  }
0x4d: {  	v8 =	vld [tilespmem:s25+$0x161C0]  }
0x4e: {  	v12 =	vadd.f32 v13, v6;
	v7 =	vld [tilespmem:s25+$0x161D0]  }
0x4f: {  	s26 =	sadd.s32 $0x200, s26;
	v11 =	vadd.f32 v14, v11;
	v6 =	vld [tilespmem:s25+$0x161E0]  }
0x50: {  	v12 =	vmax.f32 v12, $0.0e+00;
	v5 =	vadd.f32 v5, v10;
	v63 =	vld [tilespmem:s25+$0x161F0]  }
0x51: {  	[tilespmem:s25+$0x16180] =	vst v12;
	v11 =	vmax.f32 v11, $0.0e+00;
	v4 =	vadd.f32 v4, v9  }
0x52: {  	[tilespmem:s25+$0x16190] =	vst v11;
	v5 =	vmax.f32 v5, $0.0e+00;
	v3 =	vadd.f32 v3, v8  }
0x53: {  	[tilespmem:s25+$0x161A0] =	vst v5;
	v4 =	vmax.f32 v4, $0.0e+00;
	v2 =	vadd.f32 v2, v7  }
0x54: {  	[tilespmem:s25+$0x161B0] =	vst v4;
	v3 =	vmax.f32 v3, $0.0e+00;
	v1 =	vadd.f32 v1, v6  }
0x55: {  	[tilespmem:s25+$0x161C0] =	vst v3;
	v2 =	vmax.f32 v2, $0.0e+00;
	v0 =	vadd.f32 v0, v63  }
0x56: {  	s24 =	sadd.s32 $0x1, s24;
	[tilespmem:s25+$0x161D0] =	vst v2;
	v1 =	vmax.f32 v1, $0.0e+00  }
0x57: {  	p1 =	sne.s32 s24, $0x7D;
	[tilespmem:s25+$0x161E0] =	vst v1;
	v0 =	vmax.f32 v0, $0.0e+00  }
.Ltmp1:
0x58: {  	[tilespmem:s25+$0x161F0] =	vst v0;
	(pc) =	sbr.rel @p1 .LBB2_2-.Ltmp1, $4  }
0x59: {  	[spmem:s1] =	stream.indirect.scatter.add.f32 [tilespmem:s22], [sflag:$0x2], $0x80, s19, s21, $0xb8;
	[tilespmem:$0x18980] =	vst v63  }
0x5a: {  	_ =	swait.ge [sflag:s16], $0x2800  }
0x5b: {  	[sflag:s16] =	ssyncset.done $0x0  }
0x5c: {  	[sflag:s16] =	ssyncadd.s32 $0xFFFFD800  }
0x5d: {  	[bflag:$0x0] =	sbarrier.arrive $0xFFFF  }
0x5e: {  	[hbm:s12], [sflag:s9] =	dma.local [spmem:s15], $0x2700  }
0x5f: {  	s2 =	sadd.s32 $0x1, s2;
	_ =	swait.ge [sflag:s16], $0x2700  }
0x60: {  	p1 =	sne.s32 s2, s14;
	[sflag:s16] =	ssyncset.done $0x0  }
.Ltmp2:
0x61: {  	s24 =	simm.s32 @!p0 $0x2;
	[sflag:s16] =	ssyncadd.s32 $0xFFFFD900;
	(pc) =	sbr.rel @p1 .LBB2_1-.Ltmp2, $4  }
0x62: {  	[hbm:s13], [sflag:s9] =	dma.local @!p0 [spmem:s17], $0x100  }
0x63: {  	_ =	swait.ge @!p0 [sflag:s24], $0x100  }
0x64: {  	[sflag:s24] =	ssyncset.done @!p0 $0x0  }
0x65: {  	[sflag:s24] =	ssyncadd.s32 @!p0 $0xFFFFFF00  }
0x66: {  	_ =	sfence.sel $0x180000  }
0x67: {  	[bflag:$0x0] =	sbarrier.arrive $0xFFFF  }
0x68: {  	p0 =	sne.s32 s3, $0x0;
	_ =	strace $0x9000004A  }
0x69: {  	s0 =	sadd.s32 @!p0 $0x100000, s0;
	[bflag:$0x2] =	sbarrier.arrive $0xFFFF  }
0x6a: {  	[sflag:s0] =	ssyncadd.tile.s32 @!p0 $0x1;
	_ =	shalt  }
.Lfunc_end2:
_tile_overlayer_lowered:
.L_overlay_start_2:
0x6b: {  	(tag) =	ssettag $0x2  }
0x6c: {  	s0 =	rddreg [dreg:$0x0];
	s2 =	stileid.u32  }
0x6d: {  	s1 =	rddreg [dreg:$0x1];
	p0 =	sne.s32 s2, $0x0  }
0x6e: {  	s3 =	rddreg [dreg:$0x2];
	[bflag:$0x3] =	sbarrier.arrive $0xFFFF;
	s2 =	simm.s32 @!p0 $0x1C02  }
0x6f: {  	[timem:s3], [sflag:s2] =	dma.local @!p0 [hbm:s0], s1  }
0x70: {  	s0 =	simm.s32 @!p0 $0x2  }
0x71: {  	_ =	swait.ge @!p0 [sflag:s0], s1  }
0x72: {  	s1 =	ssub.s32 @!p0 $0x0, s1;
	[sflag:s0] =	ssyncset.done @!p0 $0x0  }
0x73: {  	[sflag:s0] =	ssyncadd.s32 @!p0 s1  }
0x74: {  	[bflag:$0x3] =	sbarrier.arrive $0xFFFF  }
0x75: {  	_ =	shalt  }

// kernel: kernel.8.cloned.1.call-start
scs
__scs_entry_jumppad:
0x0: {  	(pc) =	sbr.rel $0x88, $3  }
0x1: {  	(tag) =	ssettag $0x0;
	lr =	simm.s32 $0x1  }
0x2: {  	[smem:$0x3F92] =	sst lr;
	_ =	strace $0xD0000000  }
0x3: {  	_ = 	snop  }
0x4: {  	_ = 	snop  }
0x5: {  	_ = 	snop  }
0x6: {  	_ = 	snop  }
0x7: {  	_ = 	snop  }
__scs_overlays_trampoline_lowered:
0x8: {  	[smem:$0x3FA1] =	sst s0  }
0x9: {  	[smem:$0x3FA2] =	sst s1  }
0xa: {  	[smem:$0x3FA3] =	sst s2  }
0xb: {  	[smem:$0x3FA4] =	sst s3  }
0xc: {  	[smem:$0x3FA5] =	sst s4  }
0xd: {  	[smem:$0x3FA6] =	sst s5  }
0xe: {  	[smem:$0x3FA7] =	sst s6  }
0xf: {  	[smem:$0x3FA8] =	sst s7  }
0x10: {  	[smem:$0x3FA9] =	sst s8  }
0x11: {  	[smem:$0x3FAA] =	sst s9;
	s0 =	simm.s32 @!p0 $0x0  }
0x12: {  	s1 =	sld [smem:$0x3F90];
	s0 =	simm.s32 @p0 $0x1  }
0x13: {  	[smem:$0x3FAB] =	sst s0;
	s0 =	simm.s32 @!p1 $0x0  }
0x14: {  	s2 =	sld [smem:$0x3F8F];
	s0 =	simm.s32 @p1 $0x1  }
0x15: {  	[smem:$0x3FAC] =	sst s0;
	s0 =	simm.s32 @!p2 $0x0  }
0x16: {  	s3 =	sld [smem:$0x3FDB];
	s0 =	simm.s32 @p2 $0x1  }
0x17: {  	s4 =	simm.s32 $0x1BF5;
	[smem:$0x3FAE] =	sst s0  }
0x18: {  	s0 =	sld [smem:$0x3F91];
	_ =	swait.ge [sflag:s4], $0x0  }
0x19: {  	s7 =	sld [smem:$0x3F92]  }
0x1a: {  	s8 =	sadd.s32 $0xFFFFE003, lr  }
0x1b: {  	s9 =	sadd.s32 $0xFFFFFEF7, lr;
	s5 =	simm.s32 $0xFFFFFFFF;
	p2 =	slt.u32 s8, $0xFFFFF086  }
0x1c: {  	p1 =	slt.u32 s9, $0xF7A;
	s5 =	simm.s32 @!p2 $0x0  }
0x1d: {  	s5 =	simm.s32 @p1 $0x1;
	p0 =	seq.s32 s7, s2  }
0x1e: {  	s7 =	smul.u32 @!p0 $0xF7A, s2;
	p2 =	seq.s32 @!p0 s5, $0x0  }
0x1f: {  	s9 =	smul.u32 $0xF7A, s1;
	s8 =	simm.s32 @!p0 $0x1BF5;
	p2 =	por !p2, p0  }
0x20: {  	[sflag:s8] =	ssyncset.s32 @!p0 $0xFFFFF086;
	s6 =	sadd.s32 @!p0 s3, s7;
	s7 =	simm.s32 @!p0 $0x108  }
0x21: {  	s3 =	sadd.s32 s3, s9;
	s6 =	sadd.s32 @!p0 $0x88, s6;
	s7 =	simm.s32 @p2 $0x1082  }
0x22: {  	[simem:s7], [sflag:s8] =	dma.local @!p0 [hbm:s6], $0xF7A  }
0x23: {  	s9 =	sor.u32 $0xD0000000, s2;
	s6 =	simm.s32 $0x108;
	_ =	swait.ge @!p0 [sflag:s8], $0x0  }
0x24: {  	s3 =	sadd.s32 $0x88, s3;
	s6 =	simm.s32 @!p1 $0x1082;
	[sflag:s4] =	ssyncset.s32 $0xFFFFF086  }
0x25: {  	[simem:s6], [sflag:s4] =	dma.local [hbm:s3], $0xF7A  }
0x26: {  	[smem:$0x3F92] =	sst s1;
	(tag) =	ssettag s2;
	_ =	strace s9  }
0x27: {  	s1 =	sld [smem:$0x3FA2]  }
0x28: {  	s2 =	sld [smem:$0x3FA3]  }
0x29: {  	s4 =	sld [smem:$0x3FA5]  }
0x2a: {  	p0 =	seq.s32 s5, $0x0;
	s5 =	sld [smem:$0x3FA6]  }
0x2b: {  	s6 =	sld [smem:$0x3FA7]  }
0x2c: {  	s7 =	sld [smem:$0x3FA8]  }
0x2d: {  	s3 =	simm.s32 $0x108;
	s8 =	sld [smem:$0x3FA9]  }
0x2e: {  	s3 =	simm.s32 @!p0 $0x1082;
	s9 =	sld [smem:$0x3FAA]  }
0x2f: {  	lr =	sadd.s32 s0, s3;
	s0 =	sld [smem:$0x3FA1]  }
0x30: {  	s3 =	sld [smem:$0x3FA4]  }
0x31: {  	[smem:$0x3FAD] =	sst s10  }
0x32: {  	s10 =	sld [smem:$0x3FAB];
	_ =	sdelay $0x3  }
0x33: {  	p0 =	seq.s32 s10, $0x1;
	s10 =	sld [smem:$0x3FAD];
	_ =	sdelay $0x3  }
0x34: {  	[smem:$0x3FAD] =	sst s10  }
0x35: {  	s10 =	sld [smem:$0x3FAC];
	_ =	sdelay $0x3  }
0x36: {  	p1 =	seq.s32 s10, $0x1;
	s10 =	sld [smem:$0x3FAD];
	_ =	sdelay $0x3  }
0x37: {  	[smem:$0x3FAD] =	sst s10  }
0x38: {  	s10 =	sld [smem:$0x3FAE]  }
0x39: {  	_ = 	snop;
	(pc) =	sbr.ind lr, $3  }
0x3a: {  	_ = 	snop  }
0x3b: {  	_ = 	snop  }
0x3c: {  	p2 =	seq.s32 s10, $0x1;
	s10 =	sld [smem:$0x3FAD]  }
0x3d: {  	_ =	shalt  }
0x3e: {  	_ =	shalt  }
0x3f: {  	_ =	shalt  }
0x40: {  	_ =	shalt  }
0x41: {  	_ =	shalt  }
0x42: {  	_ =	shalt  }
0x43: {  	_ =	shalt  }
0x44: {  	_ =	shalt  }
0x45: {  	_ =	shalt  }
0x46: {  	_ =	shalt  }
0x47: {  	_ =	shalt  }
0x48: {  	_ =	shalt  }
0x49: {  	_ =	shalt  }
0x4a: {  	_ =	shalt  }
0x4b: {  	_ =	shalt  }
0x4c: {  	_ =	shalt  }
0x4d: {  	_ =	shalt  }
0x4e: {  	_ =	shalt  }
0x4f: {  	_ =	shalt  }
0x50: {  	_ =	shalt  }
0x51: {  	_ =	shalt  }
0x52: {  	_ =	shalt  }
0x53: {  	_ =	shalt  }
0x54: {  	_ =	shalt  }
0x55: {  	_ =	shalt  }
0x56: {  	_ =	shalt  }
0x57: {  	_ =	shalt  }
0x58: {  	_ =	shalt  }
0x59: {  	_ =	shalt  }
0x5a: {  	_ =	shalt  }
0x5b: {  	_ =	shalt  }
0x5c: {  	_ =	shalt  }
0x5d: {  	_ =	shalt  }
0x5e: {  	_ =	shalt  }
0x5f: {  	_ =	shalt  }
0x60: {  	_ =	shalt  }
0x61: {  	_ =	shalt  }
0x62: {  	_ =	shalt  }
0x63: {  	_ =	shalt  }
0x64: {  	_ =	shalt  }
0x65: {  	_ =	shalt  }
0x66: {  	_ =	shalt  }
0x67: {  	_ =	shalt  }
0x68: {  	_ =	shalt  }
0x69: {  	_ =	shalt  }
0x6a: {  	_ =	shalt  }
0x6b: {  	_ =	shalt  }
0x6c: {  	_ =	shalt  }
0x6d: {  	_ =	shalt  }
0x6e: {  	_ =	shalt  }
0x6f: {  	_ =	shalt  }
0x70: {  	_ =	shalt  }
0x71: {  	_ =	shalt  }
0x72: {  	_ =	shalt  }
0x73: {  	_ =	shalt  }
0x74: {  	_ =	shalt  }
0x75: {  	_ =	shalt  }
0x76: {  	_ =	shalt  }
0x77: {  	_ =	shalt  }
0x78: {  	_ =	shalt  }
0x79: {  	_ =	shalt  }
0x7a: {  	_ =	shalt  }
0x7b: {  	_ =	shalt  }
0x7c: {  	_ =	shalt  }
0x7d: {  	_ =	shalt  }
0x7e: {  	_ =	shalt  }
0x7f: {  	_ =	shalt  }
0x80: {  	_ =	shalt  }
0x81: {  	_ =	shalt  }
0x82: {  	_ =	shalt  }
0x83: {  	_ =	shalt  }
0x84: {  	_ =	shalt  }
0x85: {  	_ =	shalt  }
0x86: {  	_ =	shalt  }
0x87: {  	_ =	shalt  }
.Lfunc_end0:
.L_simem_size_0:
called_computation_lowered:
.L_overlay_start_0:
0x88: {  	s2 =	sld [smem:$0x3FD9]  }
0x89: {  	s3 =	sld [smem:$0x3FFE];
	_ =	sdelay $0x1  }
0x8a: {  	s1 =	srdreg.scid  }
0x8b: {  	s0 =	sand.u32 $0x1, s1  }
0x8c: {  	s17 =	sshll.u32 s0, $0xA;
	s2 =	sadd.s32 s3, s2  }
0x8d: {  	s2 =	sadd.s32 s2, s17  }
0x8e: {  	[smem:$0x3FB9] =	sst s2  }
0x8f: {  	_ = 	snop  }
0x90: {  	s2 =	sld [smem:$0x3FC9]  }
0x91: {  	s18 =	sld [smem:$0x3FD0];
	(tm) =	ssettm $0x1  }
0x92: {  	s4 =	sld [smem:$0x3FFB];
	_ =	sdelay $0x3  }
0x93: {  	_ =	strace s4  }
0x94: {  	s4 =	sld [smem:$0x3FFC];
	_ =	sdelay $0x3  }
0x95: {  	_ =	strace s4  }
0x96: {  	s4 =	sld [smem:$0x3FFD];
	_ =	sdelay $0x3  }
0x97: {  	_ =	strace s4  }
0x98: {  	_ =	strace $0x8FFFFFFF  }
0x99: {  	s19 =	sld [smem:$0x3FDB];
	_ =	sdelay $0x1  }
0x9a: {  	s5 =	simm.s32 $_scs_section_size  }
0x9b: {  	s6 =	simm.s32 $_size__tile_overlayer_lowered;
	s7 =	simm.s32 $_tile_overlayer_lowered  }
0x9c: {  	s22 =	simm.s32 $0x1BFF;
	s21 =	sshll.u32 s7, $0x1;
	s4 =	sadd.s32 s5, s19  }
0x9d: {  	s8 =	simm.s32 $0x0;
	s20 =	sshll.u32 s6, $0x1;
	s6 =	sadd.s32 s21, s4  }
0x9e: {  	[timem:s8], [sflag:s22] =	dma.local [hbm:s6], s20  }
0x9f: {  	_ =	swait.ge [sflag:s22], s20  }
0xa0: {  	s5 =	ssub.s32 $0x0, s20;
	[sflag:s22] =	ssyncset.done $0x0  }
0xa1: {  	[sflag:s22] =	ssyncadd.s32 s5;
	_ =	sdelay $0x1  }
0xa2: {  	s23 =	simm.s32 $0x1B8B  }
0xa3: {  	_ =	swait.ge [sflag:s23], $0x1  }
0xa4: {  	[sflag:s23] =	ssyncset.done $0x0  }
0xa5: {  	s25 =	simm.s32 $0x1B8E;
	s24 =	sld [smem:$0x3FFE];
	[sflag:s23] =	ssyncadd.s32 $0xFFFFFFFF  }
0xa6: {  	s26 =	simm.s32 $execute0_lowered;
	[smem:$0x3FD2] =	sst s25  }
0xa7: {  	s6 =	sshll.u32 s26, $0x1;
	_ =	strace $0x80000046;
	[dreg:$0x1] =	wrdreg $0xFFFFFFFF  }
0xa8: {  	s28 =	simm.s32 $_size_execute0_lowered;
	s4 =	sadd.s32 s4, s6;
	[dreg:$0x0] =	wrdreg $0x0  }
0xa9: {  	s6 =	sshll.u32 s28, $0x1;
	[dreg:$0x2] =	wrdreg s4  }
0xaa: {  	[dreg:$0x3] =	wrdreg s6  }
0xab: {  	[dreg:$0x4] =	wrdreg $0xC0  }
0xac: {  	_ =	task [dreg:s8], $0x5FFFF  }
0xad: {  	[dreg:$0x1] =	wrdreg $0xFFFFFFFF  }
0xae: {  	[dreg:$0x0] =	wrdreg $0x60  }
0xaf: {  	[dreg:$0x2] =	wrdreg s2  }
0xb0: {  	[dreg:$0x3] =	wrdreg s24  }
0xb1: {  	[dreg:$0x4] =	wrdreg s18  }
0xb2: {  	[dreg:$0x5] =	wrdreg $0x0  }
0xb3: {  	[dreg:$0x6] =	wrdreg $0x9  }
0xb4: {  	_ =	task.clear_ibuf [dreg:s8], $0x7FFFF;
	_ =	strace $0x90000046  }
0xb5: {  	s29 =	simm.s32 $0x9;
	_ =	strace $0x80000048  }
0xb6: {  	_ =	swait.ge [sflag:s29], $0x1  }
0xb7: {  	[sflag:s29] =	ssyncadd.s32 $0xFFFFFFFF  }
0xb8: {  	_ =	strace $0x90000048  }
0xb9: {  	_ =	sfence  }
0xba: {  	s30 =	sld [smem:$0x0];
	_ =	sdelay $0x2  }
0xbb: {  	s31 =	sshll.u32 s1, $0xD;
	s1 =	sshrl.u32 s1, $0x2  }
0xbc: {  	s3 =	sand.u32 $0x4000, s31;
	s1 =	sadd.s32 s1, s30  }
0xbd: {  	s0 =	sor.u32 s3, s0;
	s1 =	sshll.u32 s1, $0x11  }
0xbe: {  	s0 =	sor.u32 s1, s0  }
0xbf: {  	s0 =	sadd.s32 $0x8F2B, s0  }
0xc0: {  	[sflag:s0] =	ssyncadd.remote.s32 $0x1  }
0xc1: {  	_ =	sfence.sel $0xFFFF  }
0xc2: {  	[dreg:$0x0] =	wrdreg $0xFFFFFFFF;
	(pc) =	sbr.abs _section_cstart, $3  }
0xc3: {  	[dreg:$0x1] =	wrdreg $0xFFFFFFFF  }
0xc4: {  	_ =	task.clear_ibuf [dreg:s8], $0x2FFFF;
	_ =	strace $0x9FFFFFFF  }
0xc5: {  	(tm) =	ssettm $0x7FFFFFFF  }
tec
execute0_lowered:
.L_overlay_start_1:
0x0: {  	(tag) =	ssettag $0x1  }
0x1: {  	s1 =	rddreg [dreg:$0x0]  }
0x2: {  	s8 =	rddreg [dreg:$0x1]  }
0x3: {  	s10 =	rddreg [dreg:$0x2]  }
0x4: {  	s2 =	rddreg [dreg:$0x3]  }
0x5: {  	s0 =	rddreg [dreg:$0x4]  }
0x6: {  	s3 =	simm.s32 $0x0;
	s7 =	srdreg.scid;
	s4 =	stileid.u32  }
0x7: {  	s20 =	simm.s32 $0x13980;
	s21 =	simm.s32 $0x50;
	s22 =	simm.s32 $0x16180  }
0x8: {  	s23 =	simm.s32 $0x1;
	s29 =	simm.s32 $0x0;
	[smem:$0x7FF] =	sst s3  }
0x9: {  	s5 =	sadd.s32 $0xC000, s8;
	s6 =	sadd.s32 $0x2200, s8;
	s9 =	sand.u32 $0x1, s7  }
0xa: {  	s7 =	sadd.s32 $0x4F7E00, s8;
	s12 =	smul.u32 $0x4E000, s4;
	s14 =	sshll.u32 s4, $0x1  }
0xb: {  	s15 =	smul.u32 $0x13800, s4;
	s16 =	sadd.s32 $0x9D9E00, s8;
	s30 =	sshll.u32 s4, $0x6  }
0xc: {  	s19 =	sadd.s32 $0x138000, s2;
	p0 =	sne.s32 s4, $0xF;
	_ =	strace $0x80000047  }
0xd: {  	s11 =	ssub.s32 $0x2, s9;
	s24 =	sor.u32 s9, s14;
	s28 =	smul.u32 $0x138800, s9  }
0xe: {  	s9 =	sor.u32 $0x1C02, s30;
	s13 =	sshrl.u32 s11, $0x1;
	s25 =	sshrl.u32 s12, $0x2  }
0xf: {  	s26 =	sshrl.u32 s15, $0x3;
	s17 =	ssub.s32 s11, s13;
	s18 =	sadd.s32 s25, s2  }
0x10: {  	s8 =	sadd.s32 s10, s26;
	s31 =	sadd.s32 s15, s28;
	s10 =	sadd.s32 $0x27000, s10  }
0x11: {  	s13 =	sshrl.u32 s28, $0x3;
	s11 =	smul.u32 $0x2710, s24;
	s12 =	sshrl.u32 s31, $0x3  }
0x12: {  	s13 =	sadd.s32 s16, s13;
	s14 =	smax.u32 s17, $0x1;
	s15 =	sshrl.u32 s18, $0x3  }
0x13: {  	s17 =	sshrl.u32 @!p0 s19, $0x3;
	s18 =	simm.s32 $0x13880;
	s19 =	simm.s32 $0x13900  }
0x14: {  	s12 =	sadd.s32 s16, s12;
	s13 =	sadd.s32 $0x27000, s13;
	s16 =	simm.s32 $0x2  }
.LBB2_1:
0x15: {  	[spmem:s15], [sflag:s9] =	dma.local [hbm:s8], $0x2700  }
0x16: {  	_ =	swait.ge [sflag:s16], $0x2700  }
0x17: {  	[sflag:s16] =	ssyncset.done $0x0  }
0x18: {  	s24 =	simm.s32 @!p0 $0x2;
	[sflag:s16] =	ssyncadd.s32 $0xFFFFD900  }
0x19: {  	[spmem:s17], [sflag:s9] =	dma.local @!p0 [hbm:s10], $0x100  }
0x1a: {  	_ =	swait.ge @!p0 [sflag:s24], $0x100  }
0x1b: {  	[sflag:s24] =	ssyncset.done @!p0 $0x0  }
0x1c: {  	[sflag:s24] =	ssyncadd.s32 @!p0 $0xFFFFFF00  }
0x1d: {  	s24 =	simm.s32 $0x0;
	[bflag:$0x0] =	sbarrier.arrive $0xFFFF  }
.LBB2_2:
0x1e: {  	s25 =	smul.u32 $0x50, s24;
	_ =	sdelay $0x1  }
0x1f: {  	s25 =	sadd.s32 s11, s25  }
0x20: {  	s26 =	sshrl.u32 s25, $0x3  }
0x21: {  	s28 =	sadd.s32 s5, s26  }
0x22: {  	[tilespmem:s18], [sflag:$0x2] =	stream.linear.gather [hbm4b:s28+s29], $0x50, $0x38;
	[tilespmem:$0x18980] =	vst v63  }
0x23: {  	_ =	swait.ge [sflag:s16], $0x50  }
0x24: {  	[sflag:s16] =	ssyncset.done $0x0  }
0x25: {  	s26 =	sadd.s32 s6, s26;
	[sflag:s16] =	ssyncadd.s32 $0xFFFFFFB0  }
0x26: {  	[tilespmem:s19], [sflag:$0x2] =	stream.linear.gather [hbm4b:s26+s29], $0x50, $0x38;
	[tilespmem:$0x18980] =	vst v63  }
0x27: {  	_ =	swait.ge [sflag:s16], $0x50  }
0x28: {  	s25 =	sshll.u32 s25, $0x4;
	[sflag:s16] =	ssyncset.done $0x0  }
0x29: {  	s25 =	sadd.s32 s7, s25;
	[sflag:s16] =	ssyncadd.s32 $0xFFFFFFB0  }
0x2a: {  	[tilespmem:s20], [sflag:$0x2] =	stream.linear.gather [hbm4b:s25+s29], $0x2800, $0x38;
	[tilespmem:$0x18980] =	vst v63  }
0x2b: {  	_ =	swait.ge [sflag:s16], $0x2800  }
0x2c: {  	[sflag:s16] =	ssyncset.done $0x0  }
0x2d: {  	[sflag:s16] =	ssyncadd.s32 $0xFFFFD800  }
0x2e: {  	[tilespmem:s22], [sflag:$0x1] =	stream.indirect.gather [hbm4b:s1+s21], $0x80, s18, s21, $0xb8;
	[tilespmem:$0x18980] =	vst v63  }
0x2f: {  	_ =	swait.ge [sflag:s23], $0x2800  }
0x30: {  	[sflag:s23] =	ssyncset.done $0x0  }
0x31: {  	s25 =	simm.s32 $0x0;
	[sflag:s23] =	ssyncadd.s32 $0xFFFFD800  }
0x32: {  	v6 =	vld [tilespmem:s25+$0x13980]  }
0x33: {  	v11 =	vld [tilespmem:s25+$0x13990]  }
0x34: {  	v5 =	vld [tilespmem:s25+$0x139A0]  }
0x35: {  	v4 =	vld [tilespmem:s25+$0x139B0]  }
0x36: {  	v3 =	vld [tilespmem:s25+$0x139C0]  }
0x37: {  	v2 =	vld [tilespmem:s25+$0x139D0]  }
0x38: {  	v1 =	vld [tilespmem:s25+$0x139E0]  }
0x39: {  	v0 =	vld [tilespmem:s25+$0x139F0]  }
0x3a: {  	v12 =	vld [tilespmem:s25+$0x16180]  }
0x3b: {  	v13 =	vld [tilespmem:s25+$0x16190]  }
0x3c: {  	v10 =	vld [tilespmem:s25+$0x161A0]  }
0x3d: {  	v9 =	vld [tilespmem:s25+$0x161B0]  }
0x3e: {  	v8 =	vld [tilespmem:s25+$0x161C0]  }
0x3f: {  	v7 =	vld [tilespmem:s25+$0x161D0];
	v12 =	vadd.f32 v6, v12  }
0x40: {  	s26 =	simm.s32 $0x200;
	v11 =	vadd.f32 v11, v13;
	v6 =	vld [tilespmem:s25+$0x161E0]  }
.LBB2_3:
0x41: {  	s28 =	sshra.s32 s26, $0x2;
	p1 =	sne.s32 s26, $0x9E00;
	v12 =	vmax.f32 v12, $0.0e+00;
	v5 =	vadd.f32 v5, v10;
	v10 =	vld [tilespmem:s25+$0x161F0]  }
0x42: {  	v13 =	vld [tilespmem:s28+$0x13980];
	[tilespmem:s25+$0x16180] =	vst v12;
	v11 =	vmax.f32 v11, $0.0e+00;
	v4 =	vadd.f32 v4, v9  }
0x43: {  	v14 =	vld [tilespmem:s28+$0x13990];
	[tilespmem:s25+$0x16190] =	vst v11;
	v9 =	vmax.f32 v5, $0.0e+00;
	v3 =	vadd.f32 v3, v8  }
0x44: {  	v5 =	vld [tilespmem:s28+$0x139A0];
	[tilespmem:s25+$0x161A0] =	vst v9;
	v8 =	vmax.f32 v4, $0.0e+00;
	v2 =	vadd.f32 v2, v7  }
0x45: {  	v4 =	vld [tilespmem:s28+$0x139B0];
	[tilespmem:s25+$0x161B0] =	vst v8;
	v7 =	vmax.f32 v3, $0.0e+00;
	v1 =	vadd.f32 v1, v6  }
0x46: {  	v3 =	vld [tilespmem:s28+$0x139C0];
	[tilespmem:s25+$0x161C0] =	vst v7;
	v6 =	vmax.f32 v2, $0.0e+00;
	v0 =	vadd.f32 v0, v10  }
0x47: {  	v2 =	vld [tilespmem:s28+$0x139D0];
	[tilespmem:s25+$0x161D0] =	vst v6;
	v6 =	vmax.f32 v1, $0.0e+00  }
0x48: {  	v1 =	vld [tilespmem:s28+$0x139E0];
	[tilespmem:s25+$0x161E0] =	vst v6;
	v6 =	vmax.f32 v0, $0.0e+00  }
0x49: {  	v0 =	vld [tilespmem:s28+$0x139F0];
	[tilespmem:s25+$0x161F0] =	vst v6;
	s25 =	smov.u32 s28  }
0x4a: {  	v6 =	vld [tilespmem:s25+$0x16180]  }
0x4b: {  	v11 =	vld [tilespmem:s25+$0x16190]  }
.Ltmp0:
0x4c: {  	v10 =	vld [tilespmem:s25+$0x161A0];
	(pc) =	sbr.rel @p1 .LBB2_3-.Ltmp0, $4  }
0x4d: {  	v9 =	vld [tilespmem:s25+$0x161B0]  }
0x4e: {  	v8 =	vld [tilespmem:s25+$0x161C0]  }
0x4f: {  	v12 =	vadd.f32 v13, v6;
	v7 =	vld [tilespmem:s25+$0x161D0]  }
0x50: {  	s26 =	sadd.s32 $0x200, s26;
	v11 =	vadd.f32 v14, v11;
	v6 =	vld [tilespmem:s25+$0x161E0]  }
0x51: {  	v12 =	vmax.f32 v12, $0.0e+00;
	v5 =	vadd.f32 v5, v10;
	v63 =	vld [tilespmem:s25+$0x161F0]  }
0x52: {  	[tilespmem:s25+$0x16180] =	vst v12;
	v11 =	vmax.f32 v11, $0.0e+00;
	v4 =	vadd.f32 v4, v9  }
0x53: {  	[tilespmem:s25+$0x16190] =	vst v11;
	v5 =	vmax.f32 v5, $0.0e+00;
	v3 =	vadd.f32 v3, v8  }
0x54: {  	[tilespmem:s25+$0x161A0] =	vst v5;
	v4 =	vmax.f32 v4, $0.0e+00;
	v2 =	vadd.f32 v2, v7  }
0x55: {  	[tilespmem:s25+$0x161B0] =	vst v4;
	v3 =	vmax.f32 v3, $0.0e+00;
	v1 =	vadd.f32 v1, v6  }
0x56: {  	[tilespmem:s25+$0x161C0] =	vst v3;
	v2 =	vmax.f32 v2, $0.0e+00;
	v0 =	vadd.f32 v0, v63  }
0x57: {  	s24 =	sadd.s32 $0x1, s24;
	[tilespmem:s25+$0x161D0] =	vst v2;
	v1 =	vmax.f32 v1, $0.0e+00  }
0x58: {  	p1 =	sne.s32 s24, $0x7D;
	[tilespmem:s25+$0x161E0] =	vst v1;
	v0 =	vmax.f32 v0, $0.0e+00  }
.Ltmp1:
0x59: {  	[tilespmem:s25+$0x161F0] =	vst v0;
	(pc) =	sbr.rel @p1 .LBB2_2-.Ltmp1, $4  }
0x5a: {  	[spmem:s2] =	stream.indirect.scatter.add.f32 [tilespmem:s22], [sflag:$0x2], $0x80, s19, s21, $0xb8;
	[tilespmem:$0x18980] =	vst v63  }
0x5b: {  	_ =	swait.ge [sflag:s16], $0x2800  }
0x5c: {  	[sflag:s16] =	ssyncset.done $0x0  }
0x5d: {  	[sflag:s16] =	ssyncadd.s32 $0xFFFFD800  }
0x5e: {  	[bflag:$0x0] =	sbarrier.arrive $0xFFFF  }
0x5f: {  	[hbm:s12], [sflag:s9] =	dma.local [spmem:s15], $0x2700  }
0x60: {  	s3 =	sadd.s32 $0x1, s3;
	_ =	swait.ge [sflag:s16], $0x2700  }
0x61: {  	p1 =	sne.s32 s3, s14;
	[sflag:s16] =	ssyncset.done $0x0  }
.Ltmp2:
0x62: {  	s24 =	simm.s32 @!p0 $0x2;
	[sflag:s16] =	ssyncadd.s32 $0xFFFFD900;
	(pc) =	sbr.rel @p1 .LBB2_1-.Ltmp2, $4  }
0x63: {  	[hbm:s13], [sflag:s9] =	dma.local @!p0 [spmem:s17], $0x100  }
0x64: {  	_ =	swait.ge @!p0 [sflag:s24], $0x100  }
0x65: {  	[sflag:s24] =	ssyncset.done @!p0 $0x0  }
0x66: {  	[sflag:s24] =	ssyncadd.s32 @!p0 $0xFFFFFF00  }
0x67: {  	_ =	sfence.sel $0x180000  }
0x68: {  	[bflag:$0x0] =	sbarrier.arrive $0xFFFF  }
0x69: {  	p0 =	sne.s32 s4, $0x0;
	_ =	strace $0x90000047  }
0x6a: {  	s0 =	sadd.s32 @!p0 $0x100000, s0;
	[bflag:$0x2] =	sbarrier.arrive $0xFFFF  }
0x6b: {  	[sflag:s0] =	ssyncadd.tile.s32 @!p0 $0x1;
	_ =	shalt  }
.Lfunc_end2:
_tile_overlayer_lowered:
.L_overlay_start_2:
0x6c: {  	(tag) =	ssettag $0x2  }
0x6d: {  	s0 =	rddreg [dreg:$0x0];
	s2 =	stileid.u32  }
0x6e: {  	s1 =	rddreg [dreg:$0x1];
	p0 =	sne.s32 s2, $0x0  }
0x6f: {  	s3 =	rddreg [dreg:$0x2];
	[bflag:$0x3] =	sbarrier.arrive $0xFFFF;
	s2 =	simm.s32 @!p0 $0x1C02  }
0x70: {  	[timem:s3], [sflag:s2] =	dma.local @!p0 [hbm:s0], s1  }
0x71: {  	s0 =	simm.s32 @!p0 $0x2  }
0x72: {  	_ =	swait.ge @!p0 [sflag:s0], s1  }
0x73: {  	s1 =	ssub.s32 @!p0 $0x0, s1;
	[sflag:s0] =	ssyncset.done @!p0 $0x0  }
0x74: {  	[sflag:s0] =	ssyncadd.s32 @!p0 s1  }
0x75: {  	[bflag:$0x3] =	sbarrier.arrive $0xFFFF  }
0x76: {  	_ =	shalt  }

</sc_bundles>
